<compile_context>
chip_gen: v7x
topology: tpu7x:2x2x1
jax: 0.10.2.dev20260603
libtpu: 0.0.44.dev20260713+nightly
codegen_flags: <defaults>
</compile_context>

<pallas_src>
import functools

import jax
import jax.numpy as jnp
from jax import lax
from jax.experimental import pallas as pl
from jax.experimental.pallas import tpu as pltpu
from jax.experimental.pallas import tpu_sc as plsc

_BKL = 30976
_HSUB = 4
_NBUF = 3
_SC_F = 32768


def _scores(w1, w2, ones, ct):
    ct_hi = ct.astype(jnp.bfloat16).astype(jnp.float32)
    ct_lo = ct - ct_hi
    sq = ct * ct
    sq_hi = sq.astype(jnp.bfloat16).astype(jnp.float32)
    sq_lo = sq - sq_hi

    def mm(a, b):
        return jax.lax.dot_general(
            a, b, (((1,), (0,)), ((), ())),
            preferred_element_type=jnp.float32)

    return (mm(w1, ct_hi) + mm(w1, ct_lo)) + (
        mm(w2, ct_hi) + (mm(ones, sq_hi) + mm(ones, sq_lo)))


def _argmin_lanes(scores, base, num_rows):
    local_min = jnp.min(scores, axis=1, keepdims=True)
    lane_ids = jax.lax.broadcasted_iota(jnp.int32, scores.shape, 1)
    masked = jnp.where(scores == local_min, lane_ids, num_rows)
    local_arg = jnp.min(masked, axis=1, keepdims=True)
    return local_min, base + local_arg


def _nn_kernel(w1_ref, w2_ref, tail_ref, ct_hbm, val_ref, idx_ref, bufs,
               sems, val_s, idx_s, *, tc_base, bkl, nbuf, nstep, num_rows,
               tail, tail_base):
    i = pl.program_id(0)
    w1 = w1_ref[...]
    w2 = w2_ref[...]
    ones = jnp.ones_like(w1)

    @pl.when(i == 0)
    def _prologue():
        for b in range(min(nbuf, nstep)):
            pltpu.make_async_copy(
                ct_hbm.at[:, pl.ds(tc_base + b * bkl, bkl)], bufs.at[b], sems.at[b]
            ).start()
        if tail:
            tv, ti = _argmin_lanes(
                _scores(w1, w2, ones, tail_ref[...]), tail_base, num_rows)
            val_s[...] = tv
            idx_s[...] = ti
        else:
            val_s[...] = jnp.full_like(val_s, jnp.inf)
            idx_s[...] = jnp.zeros_like(idx_s)

    slot = jax.lax.rem(i, nbuf)
    pltpu.make_async_copy(
        ct_hbm.at[:, pl.ds(tc_base + i * bkl, bkl)], bufs.at[slot], sems.at[slot]
    ).wait()

    hsub = _HSUB
    sub = bkl // hsub
    cbuf = bufs[slot]
    for h in range(hsub):
        local_min, local_idx = _argmin_lanes(
            _scores(w1, w2, ones, cbuf[:, h * sub:(h + 1) * sub]),
            tc_base + i * bkl + h * sub, num_rows)

        prev_v = val_s[...]
        prev_i = idx_s[...]
        better = (local_min < prev_v) | (
            (local_min == prev_v) & (local_idx < prev_i))
        val_s[...] = jnp.where(better, local_min, prev_v)
        idx_s[...] = jnp.where(better, local_idx, prev_i)

    @pl.when(i + nbuf < nstep)
    def _refill():
        pltpu.make_async_copy(
            ct_hbm.at[:, pl.ds(tc_base + (i + nbuf) * bkl, bkl)], bufs.at[slot],
            sems.at[slot]
        ).start()

    @pl.when(i == nstep - 1)
    def _finish():
        val_ref[...] = val_s[...]
        idx_ref[...] = idx_s[...]


def _tc_call(w1, w2, ct, tc_base, num_rows):
    p, d = w1.shape
    bkl = _BKL
    nbuf = _NBUF
    span = num_rows - tc_base
    nstep = span // bkl
    main = nstep * bkl
    tail = span - main
    tail_base = tc_base + main
    tail_arr = (ct[:, tail_base:num_rows] if tail
                else jnp.zeros((d, 1), jnp.float32))
    tail_w = tail if tail else 1

    return pl.pallas_call(
        functools.partial(_nn_kernel, tc_base=tc_base, bkl=bkl, nbuf=nbuf,
                          nstep=nstep, num_rows=num_rows, tail=tail,
                          tail_base=tail_base),
        grid=(nstep,),
        in_specs=[
            pl.BlockSpec((p, d), lambda i: (0, 0)),
            pl.BlockSpec((p, d), lambda i: (0, 0)),
            pl.BlockSpec((d, tail_w), lambda i: (0, 0)),
            pl.BlockSpec(memory_space=pl.ANY),
        ],
        out_specs=[
            pl.BlockSpec((p, 1), lambda i: (0, 0)),
            pl.BlockSpec((p, 1), lambda i: (0, 0)),
        ],
        out_shape=[
            jax.ShapeDtypeStruct((p, 1), jnp.float32),
            jax.ShapeDtypeStruct((p, 1), jnp.int32),
        ],
        scratch_shapes=[
            pltpu.VMEM((nbuf, d, bkl), jnp.float32),
            pltpu.SemaphoreType.DMA((nbuf,)),
            pltpu.VMEM((p, 1), jnp.float32),
            pltpu.VMEM((p, 1), jnp.int32),
        ],
    )(w1, w2, tail_arr, ct)


def _sc_nn(m2p, ct, base, w, num_rows):
    d, p = m2p.shape
    groups = w // 16
    mesh = plsc.VectorSubcoreMesh(core_axis_name="c", subcore_axis_name="s")

    @functools.partial(
        pl.kernel, mesh=mesh,
        out_type=[
            jax.ShapeDtypeStruct((32, p, 16), jnp.float32),
            jax.ShapeDtypeStruct((32, p, 16), jnp.int32),
        ],
        scratch_types=[
            pltpu.VMEM((d, w), jnp.float32),
            pltpu.VMEM((d, p), jnp.float32),
            pltpu.VMEM((p, 16), jnp.float32),
            pltpu.VMEM((p, 16), jnp.int32),
            pltpu.SemaphoreType.DMA,
        ],
    )
    def sc_k(ct_hbm, m2pt_hbm, val_hbm, idx_hbm, buf, pvm, stv, sti, sem):
        cix = lax.axis_index("c")
        six = lax.axis_index("s")
        wid = six * 2 + cix
        row0 = base + wid * w
        pltpu.sync_copy(m2pt_hbm, pvm)
        pltpu.async_copy(ct_hbm.at[:, pl.ds(row0, w)], buf, sem).wait()

        lane = lax.iota(jnp.int32, 16)
        big = jnp.float32(jnp.inf)

        def group_body(g, carry):
            mins = carry[:16]
            idxs = carry[16:]
            gbase = g * 16

            def d_body(dd, dc):
                accs = dc[:16]
                c2 = dc[16]
                v = buf[dd, pl.ds(gbase, 16)]
                pv = pvm[dd, pl.ds(0, 16)]
                new = tuple(accs[j] + v * pv[j] for j in range(16))
                return new + (c2 + v * v,)

            zero = jnp.zeros((16,), jnp.float32)
            dc = lax.fori_loop(0, d, d_body, tuple(zero for _ in range(16))
                               + (zero,))
            c2 = dc[16]
            idvec = lane + (row0 + gbase)
            nmins = []
            nidxs = []
            for j in range(16):
                s_j = c2 + dc[j]
                m = s_j < mins[j]
                nmins.append(jnp.where(m, s_j, mins[j]))
                nidxs.append(jnp.where(m, idvec, idxs[j]))
            return tuple(nmins) + tuple(nidxs)

        inf = jnp.full((16,), big, jnp.float32)
        zi = jnp.zeros((16,), jnp.int32)
        carry = lax.fori_loop(
            0, groups, group_body,
            tuple(inf for _ in range(16)) + tuple(zi for _ in range(16)))

        for j in range(16):
            stv[j, pl.ds(0, 16)] = carry[j]
            sti[j, pl.ds(0, 16)] = carry[16 + j]

        pltpu.sync_copy(stv, val_hbm.at[wid])
        pltpu.sync_copy(sti, idx_hbm.at[wid])

    return sc_k(ct, m2p)


def kernel(prompt_embs, clip_embs):
    num_rows, d = clip_embs.shape
    p = prompt_embs.shape[0]
    ct = clip_embs.T

    sc_f = _SC_F
    sc_w = sc_f // 32

    p_hi = prompt_embs.astype(jnp.bfloat16).astype(jnp.float32)
    p_lo = (prompt_embs - p_hi).astype(jnp.bfloat16).astype(jnp.float32)
    w1 = -2.0 * p_hi
    w2 = -2.0 * p_lo
    m2p = -2.0 * prompt_embs

    sc_val, sc_idx = _sc_nn(m2p.T, ct, 0, sc_w, num_rows)
    tc_val, tc_idx = _tc_call(w1, w2, ct, sc_f, num_rows)

    scv = jnp.transpose(sc_val, (0, 2, 1)).reshape(-1, p)
    sci = jnp.transpose(sc_idx, (0, 2, 1)).reshape(-1, p)
    allv = jnp.concatenate([tc_val.T, scv], axis=0)
    alli = jnp.concatenate([tc_idx.T, sci], axis=0)
    m = jnp.min(allv, axis=0)
    ids = jnp.min(jnp.where(allv == m, alli, num_rows), axis=0)
    return (prompt_embs, prompt_embs, ids.astype(jnp.int32))

# --- scband reference (transcript-rebuilt; emitter-appended) ---
"""Pipeline reference for scband-co-op-335007449606 (READ-ONLY COPY).

The authoritative reference and input builder live on the scoring server;
editing this copy changes nothing except your own understanding.
"""

import jax, jax.numpy as jnp
import numpy as np


def setup_inputs(seed: int = 0) -> dict:
    key = jax.random.key(seed)
    k1, k2 = jax.random.split(key)
    # learned prompt embeddings, init std=0.02 as in the module
    prompt_embs = jax.random.normal(k1, (16, 64), dtype=jnp.float32) * 0.02
    # frozen CLIP embedding table (clip_embs.weight.data)
    clip_embs = jax.random.normal(k2, (1000000, 64), dtype=jnp.float32)
    return {"prompt_embs": prompt_embs, "clip_embs": clip_embs}


def find_nearest(prompt_embs, clip_embs, p=2.0):
    # torch.cdist with p=2 via ||a||^2 + ||b||^2 - 2 a.b^T (memory-bound scan of the table)
    p2 = jnp.sum(prompt_embs * prompt_embs, axis=1, keepdims=True)   # [P, 1]
    c2 = jnp.sum(clip_embs * clip_embs, axis=1)[None, :]             # [1, K]
    d2 = p2 + c2 - 2.0 * (prompt_embs @ clip_embs.T)                 # [P, K]
    dists = jnp.sqrt(jnp.clip(d2, 0.0, None))
    prompt_ids = jnp.argmin(dists, axis=1)                           # [P]
    return prompt_ids


def reference(prompt_embs, clip_embs):
    # eval-mode forward: out = Munch(clip_embs=prompt_embs, gpt_embs=prompt_embs, ids=nearest ids)
    ids = find_nearest(prompt_embs, clip_embs, p=2.0)
    return (prompt_embs, prompt_embs, ids)

if __name__ == "__main__":
    import jax
    _d = setup_inputs()
    print(jax.jit(kernel)(*tuple(_d.values())))

</pallas_src>

<mosaic_0001>
#map = affine_map<(d0, d1) -> (0, 0)>
#map1 = affine_map<(d0, d1) -> (0, 0, 0)>
module attributes {stable_mosaic.version = 14 : i64} {
  func.func @sc_k(%arg0: i32, %arg1: i32, %arg2: memref<64x1000000xf32, #tpu.memory_space<hbm>>, %arg3: memref<64x16xf32, #tpu.memory_space<hbm>>, %arg4: memref<32x16x16xf32, #tpu.memory_space<hbm>>, %arg5: memref<32x16x16xi32, #tpu.memory_space<hbm>>, %arg6: memref<64x1024xf32, #tpu.memory_space<vmem>>, %arg7: memref<64x16xf32, #tpu.memory_space<vmem>>, %arg8: memref<16x16xf32, #tpu.memory_space<vmem>>, %arg9: memref<16x16xi32, #tpu.memory_space<vmem>>, %arg10: memref<!tpu.dma_semaphore, #tpu.memory_space<semaphore_mem>>) attributes {dimension_semantics = [#tpu.dimension_semantics<core_parallel>, #tpu.dimension_semantics<subcore_parallel>], iteration_bounds = array<i64: 2, 16>, scalar_prefetch = 0 : i64, scratch_operands = 5 : i64, tpu.core_type = #tpu.core_type<sc_vector_subcore>, window_params = [{transform_indices = #map}, {transform_indices = #map}, {transform_indices = #map1}, {transform_indices = #map1}]} {
    %mul3A = arith.constant 2 : i32
    %mul3A_0 = arith.muli %arg1, %mul3A : i32
    %add3A = arith.addi %mul3A_0, %arg0 : i32
    %mul3A_1 = arith.constant 1024 : i32
    %mul3A_2 = arith.muli %add3A, %mul3A_1 : i32
    %add3A_3 = arith.constant 0 : i32
    %add3A_4 = arith.addi %add3A_3, %mul3A_2 : i32
    "tpu.region"() ({
      %run_scoped3A = tpu.sem_alloc : memref<!tpu.dma_semaphore, #tpu.memory_space<semaphore_mem>>
      tpu.enqueue_dma source(%arg3 : memref<64x16xf32, #tpu.memory_space<hbm>>) target(%arg7 : memref<64x16xf32, #tpu.memory_space<vmem>>) target_semaphore(%run_scoped3A : memref<!tpu.dma_semaphore, #tpu.memory_space<semaphore_mem>>)
      tpu.wait_dma2 semaphore(%run_scoped3A : memref<!tpu.dma_semaphore, #tpu.memory_space<semaphore_mem>>) src(%arg3 : memref<64x16xf32, #tpu.memory_space<hbm>>) dst(%arg7 : memref<64x16xf32, #tpu.memory_space<vmem>>)
      tpu.yield
    }) : () -> ()
    %dma_start3A = arith.constant 0 : i32
    %dma_start3A_5 = tpu.memref_slice %arg2[%dma_start3A, %add3A_4] : memref<64x1000000xf32, #tpu.memory_space<hbm>> -> memref<64x1024xf32, #tpu.memory_space<hbm>>
    %dma_start3A_6 = arith.constant 0 : i32
    %dma_start3A_7 = tpu.memref_slice %arg2[%dma_start3A_6, %add3A_4] : memref<64x1000000xf32, #tpu.memory_space<hbm>> -> memref<64x1024xf32, #tpu.memory_space<hbm>>
    tpu.enqueue_dma source(%dma_start3A_7 : memref<64x1024xf32, #tpu.memory_space<hbm>>) target(%arg6 : memref<64x1024xf32, #tpu.memory_space<vmem>>) target_semaphore(%arg10 : memref<!tpu.dma_semaphore, #tpu.memory_space<semaphore_mem>>)
    %dma_wait3A = arith.constant 0 : i32
    %dma_wait3A_8 = tpu.memref_slice %arg2[%dma_wait3A, %add3A_4] : memref<64x1000000xf32, #tpu.memory_space<hbm>> -> memref<64x1024xf32, #tpu.memory_space<hbm>>
    %dma_wait3A_9 = arith.constant 0 : i32
    %dma_wait3A_10 = tpu.memref_slice %arg2[%dma_wait3A_9, %add3A_4] : memref<64x1000000xf32, #tpu.memory_space<hbm>> -> memref<64x1024xf32, #tpu.memory_space<hbm>>
    tpu.wait_dma2 semaphore(%arg10 : memref<!tpu.dma_semaphore, #tpu.memory_space<semaphore_mem>>) src(%dma_wait3A_10 : memref<64x1024xf32, #tpu.memory_space<hbm>>) dst(%arg6 : memref<64x1024xf32, #tpu.memory_space<vmem>>)
    %iota3A = tpu.iota {dimensions = array<i32: 0>} : vector<16xi32>
    %broadcast_in_dim3A = arith.constant 0x7F800000 : f32
    %broadcast_in_dim3A_11 = vector.broadcast %broadcast_in_dim3A : f32 to vector<16xf32>
    %broadcast_in_dim3A_12 = arith.constant 0 : i32
    %broadcast_in_dim3A_13 = vector.broadcast %broadcast_in_dim3A_12 : i32 to vector<16xi32>
    %scan3A = arith.constant 0 : i32
    %scan3A_14 = arith.constant 64 : i32
    %scan3A_15 = arith.addi %scan3A, %scan3A_14 : i32
    %scan3A_16 = arith.constant 1 : i32
    %scan3A_17:32 = scf.for %scan3A_210 = %scan3A to %scan3A_15 step %scan3A_16 iter_args(%scan3A_211 = %broadcast_in_dim3A_11, %scan3A_212 = %broadcast_in_dim3A_11, %scan3A_213 = %broadcast_in_dim3A_11, %scan3A_214 = %broadcast_in_dim3A_11, %scan3A_215 = %broadcast_in_dim3A_11, %scan3A_216 = %broadcast_in_dim3A_11, %scan3A_217 = %broadcast_in_dim3A_11, %scan3A_218 = %broadcast_in_dim3A_11, %scan3A_219 = %broadcast_in_dim3A_11, %scan3A_220 = %broadcast_in_dim3A_11, %scan3A_221 = %broadcast_in_dim3A_11, %scan3A_222 = %broadcast_in_dim3A_11, %scan3A_223 = %broadcast_in_dim3A_11, %scan3A_224 = %broadcast_in_dim3A_11, %scan3A_225 = %broadcast_in_dim3A_11, %scan3A_226 = %broadcast_in_dim3A_11, %scan3A_227 = %broadcast_in_dim3A_13, %scan3A_228 = %broadcast_in_dim3A_13, %scan3A_229 = %broadcast_in_dim3A_13, %scan3A_230 = %broadcast_in_dim3A_13, %scan3A_231 = %broadcast_in_dim3A_13, %scan3A_232 = %broadcast_in_dim3A_13, %scan3A_233 = %broadcast_in_dim3A_13, %scan3A_234 = %broadcast_in_dim3A_13, %scan3A_235 = %broadcast_in_dim3A_13, %scan3A_236 = %broadcast_in_dim3A_13, %scan3A_237 = %broadcast_in_dim3A_13, %scan3A_238 = %broadcast_in_dim3A_13, %scan3A_239 = %broadcast_in_dim3A_13, %scan3A_240 = %broadcast_in_dim3A_13, %scan3A_241 = %broadcast_in_dim3A_13, %scan3A_242 = %broadcast_in_dim3A_13) -> (vector<16xf32>, vector<16xf32>, vector<16xf32>, vector<16xf32>, vector<16xf32>, vector<16xf32>, vector<16xf32>, vector<16xf32>, vector<16xf32>, vector<16xf32>, vector<16xf32>, vector<16xf32>, vector<16xf32>, vector<16xf32>, vector<16xf32>, vector<16xf32>, vector<16xi32>, vector<16xi32>, vector<16xi32>, vector<16xi32>, vector<16xi32>, vector<16xi32>, vector<16xi32>, vector<16xi32>, vector<16xi32>, vector<16xi32>, vector<16xi32>, vector<16xi32>, vector<16xi32>, vector<16xi32>, vector<16xi32>, vector<16xi32>)  : i32 {
      %mul3A_243 = arith.constant 16 : i32
      %mul3A_244 = arith.muli %scan3A_210, %mul3A_243 : i32
      %broadcast_in_dim3A_245 = arith.constant 0.000000e+00 : f32
      %broadcast_in_dim3A_246 = vector.broadcast %broadcast_in_dim3A_245 : f32 to vector<16xf32>
      %scan3A_247 = arith.constant 0 : i32
      %scan3A_248 = arith.constant 64 : i32
      %scan3A_249 = arith.addi %scan3A_247, %scan3A_248 : i32
      %scan3A_250 = arith.constant 1 : i32
      %scan3A_251:17 = scf.for %scan3A_318 = %scan3A_247 to %scan3A_249 step %scan3A_250 iter_args(%scan3A_319 = %broadcast_in_dim3A_246, %scan3A_320 = %broadcast_in_dim3A_246, %scan3A_321 = %broadcast_in_dim3A_246, %scan3A_322 = %broadcast_in_dim3A_246, %scan3A_323 = %broadcast_in_dim3A_246, %scan3A_324 = %broadcast_in_dim3A_246, %scan3A_325 = %broadcast_in_dim3A_246, %scan3A_326 = %broadcast_in_dim3A_246, %scan3A_327 = %broadcast_in_dim3A_246, %scan3A_328 = %broadcast_in_dim3A_246, %scan3A_329 = %broadcast_in_dim3A_246, %scan3A_330 = %broadcast_in_dim3A_246, %scan3A_331 = %broadcast_in_dim3A_246, %scan3A_332 = %broadcast_in_dim3A_246, %scan3A_333 = %broadcast_in_dim3A_246, %scan3A_334 = %broadcast_in_dim3A_246, %scan3A_335 = %broadcast_in_dim3A_246) -> (vector<16xf32>, vector<16xf32>, vector<16xf32>, vector<16xf32>, vector<16xf32>, vector<16xf32>, vector<16xf32>, vector<16xf32>, vector<16xf32>, vector<16xf32>, vector<16xf32>, vector<16xf32>, vector<16xf32>, vector<16xf32>, vector<16xf32>, vector<16xf32>, vector<16xf32>)  : i32 {
        %get3A = arith.index_cast %scan3A_318 : i32 to index
        %get3A_336 = arith.index_cast %mul3A_244 : i32 to index
        %get3A_337 = tpu.vector_load %arg6[%get3A, %get3A_336] {strides = array<i32>} : memref<64x1024xf32, #tpu.memory_space<vmem>>, vector<1x16xf32>,
        %get3A_338 = vector.shape_cast %get3A_337 : vector<1x16xf32> to vector<16xf32>
        %get3A_339 = arith.index_cast %scan3A_318 : i32 to index
        %get3A_340 = arith.constant 0 : index
        %get3A_341 = tpu.vector_load %arg7[%get3A_339, %get3A_340] {strides = array<i32>} : memref<64x16xf32, #tpu.memory_space<vmem>>, vector<1x16xf32>,
        %get3A_342 = vector.shape_cast %get3A_341 : vector<1x16xf32> to vector<16xf32>
        %slice3A = vector.extract_strided_slice %get3A_342 {offsets = [0], sizes = [1], strides = [1]} : vector<16xf32> to vector<1xf32>
        %squeeze3A = vector.extract %slice3A[0] : f32 from vector<1xf32>
        %mul3A_343 = vector.broadcast %squeeze3A : f32 to vector<16xf32>
        %mul3A_344 = arith.mulf %get3A_338, %mul3A_343 : vector<16xf32>
        %add3A_345 = arith.addf %scan3A_319, %mul3A_344 : vector<16xf32>
        %slice3A_346 = vector.extract_strided_slice %get3A_342 {offsets = [1], sizes = [1], strides = [1]} : vector<16xf32> to vector<1xf32>
        %squeeze3A_347 = vector.extract %slice3A_346[0] : f32 from vector<1xf32>
        %mul3A_348 = vector.broadcast %squeeze3A_347 : f32 to vector<16xf32>
        %mul3A_349 = arith.mulf %get3A_338, %mul3A_348 : vector<16xf32>
        %add3A_350 = arith.addf %scan3A_320, %mul3A_349 : vector<16xf32>
        %slice3A_351 = vector.extract_strided_slice %get3A_342 {offsets = [2], sizes = [1], strides = [1]} : vector<16xf32> to vector<1xf32>
        %squeeze3A_352 = vector.extract %slice3A_351[0] : f32 from vector<1xf32>
        %mul3A_353 = vector.broadcast %squeeze3A_352 : f32 to vector<16xf32>
        %mul3A_354 = arith.mulf %get3A_338, %mul3A_353 : vector<16xf32>
        %add3A_355 = arith.addf %scan3A_321, %mul3A_354 : vector<16xf32>
        %slice3A_356 = vector.extract_strided_slice %get3A_342 {offsets = [3], sizes = [1], strides = [1]} : vector<16xf32> to vector<1xf32>
        %squeeze3A_357 = vector.extract %slice3A_356[0] : f32 from vector<1xf32>
        %mul3A_358 = vector.broadcast %squeeze3A_357 : f32 to vector<16xf32>
        %mul3A_359 = arith.mulf %get3A_338, %mul3A_358 : vector<16xf32>
        %add3A_360 = arith.addf %scan3A_322, %mul3A_359 : vector<16xf32>
        %slice3A_361 = vector.extract_strided_slice %get3A_342 {offsets = [4], sizes = [1], strides = [1]} : vector<16xf32> to vector<1xf32>
        %squeeze3A_362 = vector.extract %slice3A_361[0] : f32 from vector<1xf32>
        %mul3A_363 = vector.broadcast %squeeze3A_362 : f32 to vector<16xf32>
        %mul3A_364 = arith.mulf %get3A_338, %mul3A_363 : vector<16xf32>
        %add3A_365 = arith.addf %scan3A_323, %mul3A_364 : vector<16xf32>
        %slice3A_366 = vector.extract_strided_slice %get3A_342 {offsets = [5], sizes = [1], strides = [1]} : vector<16xf32> to vector<1xf32>
        %squeeze3A_367 = vector.extract %slice3A_366[0] : f32 from vector<1xf32>
        %mul3A_368 = vector.broadcast %squeeze3A_367 : f32 to vector<16xf32>
        %mul3A_369 = arith.mulf %get3A_338, %mul3A_368 : vector<16xf32>
        %add3A_370 = arith.addf %scan3A_324, %mul3A_369 : vector<16xf32>
        %slice3A_371 = vector.extract_strided_slice %get3A_342 {offsets = [6], sizes = [1], strides = [1]} : vector<16xf32> to vector<1xf32>
        %squeeze3A_372 = vector.extract %slice3A_371[0] : f32 from vector<1xf32>
        %mul3A_373 = vector.broadcast %squeeze3A_372 : f32 to vector<16xf32>
        %mul3A_374 = arith.mulf %get3A_338, %mul3A_373 : vector<16xf32>
        %add3A_375 = arith.addf %scan3A_325, %mul3A_374 : vector<16xf32>
        %slice3A_376 = vector.extract_strided_slice %get3A_342 {offsets = [7], sizes = [1], strides = [1]} : vector<16xf32> to vector<1xf32>
        %squeeze3A_377 = vector.extract %slice3A_376[0] : f32 from vector<1xf32>
        %mul3A_378 = vector.broadcast %squeeze3A_377 : f32 to vector<16xf32>
        %mul3A_379 = arith.mulf %get3A_338, %mul3A_378 : vector<16xf32>
        %add3A_380 = arith.addf %scan3A_326, %mul3A_379 : vector<16xf32>
        %slice3A_381 = vector.extract_strided_slice %get3A_342 {offsets = [8], sizes = [1], strides = [1]} : vector<16xf32> to vector<1xf32>
        %squeeze3A_382 = vector.extract %slice3A_381[0] : f32 from vector<1xf32>
        %mul3A_383 = vector.broadcast %squeeze3A_382 : f32 to vector<16xf32>
        %mul3A_384 = arith.mulf %get3A_338, %mul3A_383 : vector<16xf32>
        %add3A_385 = arith.addf %scan3A_327, %mul3A_384 : vector<16xf32>
        %slice3A_386 = vector.extract_strided_slice %get3A_342 {offsets = [9], sizes = [1], strides = [1]} : vector<16xf32> to vector<1xf32>
        %squeeze3A_387 = vector.extract %slice3A_386[0] : f32 from vector<1xf32>
        %mul3A_388 = vector.broadcast %squeeze3A_387 : f32 to vector<16xf32>
        %mul3A_389 = arith.mulf %get3A_338, %mul3A_388 : vector<16xf32>
        %add3A_390 = arith.addf %scan3A_328, %mul3A_389 : vector<16xf32>
        %slice3A_391 = vector.extract_strided_slice %get3A_342 {offsets = [10], sizes = [1], strides = [1]} : vector<16xf32> to vector<1xf32>
        %squeeze3A_392 = vector.extract %slice3A_391[0] : f32 from vector<1xf32>
        %mul3A_393 = vector.broadcast %squeeze3A_392 : f32 to vector<16xf32>
        %mul3A_394 = arith.mulf %get3A_338, %mul3A_393 : vector<16xf32>
        %add3A_395 = arith.addf %scan3A_329, %mul3A_394 : vector<16xf32>
        %slice3A_396 = vector.extract_strided_slice %get3A_342 {offsets = [11], sizes = [1], strides = [1]} : vector<16xf32> to vector<1xf32>
        %squeeze3A_397 = vector.extract %slice3A_396[0] : f32 from vector<1xf32>
        %mul3A_398 = vector.broadcast %squeeze3A_397 : f32 to vector<16xf32>
        %mul3A_399 = arith.mulf %get3A_338, %mul3A_398 : vector<16xf32>
        %add3A_400 = arith.addf %scan3A_330, %mul3A_399 : vector<16xf32>
        %slice3A_401 = vector.extract_strided_slice %get3A_342 {offsets = [12], sizes = [1], strides = [1]} : vector<16xf32> to vector<1xf32>
        %squeeze3A_402 = vector.extract %slice3A_401[0] : f32 from vector<1xf32>
        %mul3A_403 = vector.broadcast %squeeze3A_402 : f32 to vector<16xf32>
        %mul3A_404 = arith.mulf %get3A_338, %mul3A_403 : vector<16xf32>
        %add3A_405 = arith.addf %scan3A_331, %mul3A_404 : vector<16xf32>
        %slice3A_406 = vector.extract_strided_slice %get3A_342 {offsets = [13], sizes = [1], strides = [1]} : vector<16xf32> to vector<1xf32>
        %squeeze3A_407 = vector.extract %slice3A_406[0] : f32 from vector<1xf32>
        %mul3A_408 = vector.broadcast %squeeze3A_407 : f32 to vector<16xf32>
        %mul3A_409 = arith.mulf %get3A_338, %mul3A_408 : vector<16xf32>
        %add3A_410 = arith.addf %scan3A_332, %mul3A_409 : vector<16xf32>
        %slice3A_411 = vector.extract_strided_slice %get3A_342 {offsets = [14], sizes = [1], strides = [1]} : vector<16xf32> to vector<1xf32>
        %squeeze3A_412 = vector.extract %slice3A_411[0] : f32 from vector<1xf32>
        %mul3A_413 = vector.broadcast %squeeze3A_412 : f32 to vector<16xf32>
        %mul3A_414 = arith.mulf %get3A_338, %mul3A_413 : vector<16xf32>
        %add3A_415 = arith.addf %scan3A_333, %mul3A_414 : vector<16xf32>
        %slice3A_416 = vector.extract_strided_slice %get3A_342 {offsets = [15], sizes = [1], strides = [1]} : vector<16xf32> to vector<1xf32>
        %squeeze3A_417 = vector.extract %slice3A_416[0] : f32 from vector<1xf32>
        %mul3A_418 = vector.broadcast %squeeze3A_417 : f32 to vector<16xf32>
        %mul3A_419 = arith.mulf %get3A_338, %mul3A_418 : vector<16xf32>
        %add3A_420 = arith.addf %scan3A_334, %mul3A_419 : vector<16xf32>
        %mul3A_421 = arith.mulf %get3A_338, %get3A_338 : vector<16xf32>
        %add3A_422 = arith.addf %scan3A_335, %mul3A_421 : vector<16xf32>
        scf.yield %add3A_345, %add3A_350, %add3A_355, %add3A_360, %add3A_365, %add3A_370, %add3A_375, %add3A_380, %add3A_385, %add3A_390, %add3A_395, %add3A_400, %add3A_405, %add3A_410, %add3A_415, %add3A_420, %add3A_422 : vector<16xf32>, vector<16xf32>, vector<16xf32>, vector<16xf32>, vector<16xf32>, vector<16xf32>, vector<16xf32>, vector<16xf32>, vector<16xf32>, vector<16xf32>, vector<16xf32>, vector<16xf32>, vector<16xf32>, vector<16xf32>, vector<16xf32>, vector<16xf32>, vector<16xf32>
      }
      %scan3A_252 = arith.constant 64 : i32
      %add3A_253 = arith.addi %add3A_4, %mul3A_244 : i32
      %add3A_254 = vector.broadcast %add3A_253 : i32 to vector<16xi32>
      %add3A_255 = arith.addi %iota3A, %add3A_254 : vector<16xi32>
      %add3A_256 = arith.addf %scan3A_251#16, %scan3A_251#0 : vector<16xf32>
      %lt3A = arith.cmpf olt, %add3A_256, %scan3A_211 : vector<16xf32>
      %select_n3A = arith.select %lt3A, %add3A_256, %scan3A_211 : vector<16xi1>, vector<16xf32>
      %select_n3A_257 = arith.select %lt3A, %add3A_255, %scan3A_227 : vector<16xi1>, vector<16xi32>
      %add3A_258 = arith.addf %scan3A_251#16, %scan3A_251#1 : vector<16xf32>
      %lt3A_259 = arith.cmpf olt, %add3A_258, %scan3A_212 : vector<16xf32>
      %select_n3A_260 = arith.select %lt3A_259, %add3A_258, %scan3A_212 : vector<16xi1>, vector<16xf32>
      %select_n3A_261 = arith.select %lt3A_259, %add3A_255, %scan3A_228 : vector<16xi1>, vector<16xi32>
      %add3A_262 = arith.addf %scan3A_251#16, %scan3A_251#2 : vector<16xf32>
      %lt3A_263 = arith.cmpf olt, %add3A_262, %scan3A_213 : vector<16xf32>
      %select_n3A_264 = arith.select %lt3A_263, %add3A_262, %scan3A_213 : vector<16xi1>, vector<16xf32>
      %select_n3A_265 = arith.select %lt3A_263, %add3A_255, %scan3A_229 : vector<16xi1>, vector<16xi32>
      %add3A_266 = arith.addf %scan3A_251#16, %scan3A_251#3 : vector<16xf32>
      %lt3A_267 = arith.cmpf olt, %add3A_266, %scan3A_214 : vector<16xf32>
      %select_n3A_268 = arith.select %lt3A_267, %add3A_266, %scan3A_214 : vector<16xi1>, vector<16xf32>
      %select_n3A_269 = arith.select %lt3A_267, %add3A_255, %scan3A_230 : vector<16xi1>, vector<16xi32>
      %add3A_270 = arith.addf %scan3A_251#16, %scan3A_251#4 : vector<16xf32>
      %lt3A_271 = arith.cmpf olt, %add3A_270, %scan3A_215 : vector<16xf32>
      %select_n3A_272 = arith.select %lt3A_271, %add3A_270, %scan3A_215 : vector<16xi1>, vector<16xf32>
      %select_n3A_273 = arith.select %lt3A_271, %add3A_255, %scan3A_231 : vector<16xi1>, vector<16xi32>
      %add3A_274 = arith.addf %scan3A_251#16, %scan3A_251#5 : vector<16xf32>
      %lt3A_275 = arith.cmpf olt, %add3A_274, %scan3A_216 : vector<16xf32>
      %select_n3A_276 = arith.select %lt3A_275, %add3A_274, %scan3A_216 : vector<16xi1>, vector<16xf32>
      %select_n3A_277 = arith.select %lt3A_275, %add3A_255, %scan3A_232 : vector<16xi1>, vector<16xi32>
      %add3A_278 = arith.addf %scan3A_251#16, %scan3A_251#6 : vector<16xf32>
      %lt3A_279 = arith.cmpf olt, %add3A_278, %scan3A_217 : vector<16xf32>
      %select_n3A_280 = arith.select %lt3A_279, %add3A_278, %scan3A_217 : vector<16xi1>, vector<16xf32>
      %select_n3A_281 = arith.select %lt3A_279, %add3A_255, %scan3A_233 : vector<16xi1>, vector<16xi32>
      %add3A_282 = arith.addf %scan3A_251#16, %scan3A_251#7 : vector<16xf32>
      %lt3A_283 = arith.cmpf olt, %add3A_282, %scan3A_218 : vector<16xf32>
      %select_n3A_284 = arith.select %lt3A_283, %add3A_282, %scan3A_218 : vector<16xi1>, vector<16xf32>
      %select_n3A_285 = arith.select %lt3A_283, %add3A_255, %scan3A_234 : vector<16xi1>, vector<16xi32>
      %add3A_286 = arith.addf %scan3A_251#16, %scan3A_251#8 : vector<16xf32>
      %lt3A_287 = arith.cmpf olt, %add3A_286, %scan3A_219 : vector<16xf32>
      %select_n3A_288 = arith.select %lt3A_287, %add3A_286, %scan3A_219 : vector<16xi1>, vector<16xf32>
      %select_n3A_289 = arith.select %lt3A_287, %add3A_255, %scan3A_235 : vector<16xi1>, vector<16xi32>
      %add3A_290 = arith.addf %scan3A_251#16, %scan3A_251#9 : vector<16xf32>
      %lt3A_291 = arith.cmpf olt, %add3A_290, %scan3A_220 : vector<16xf32>
      %select_n3A_292 = arith.select %lt3A_291, %add3A_290, %scan3A_220 : vector<16xi1>, vector<16xf32>
      %select_n3A_293 = arith.select %lt3A_291, %add3A_255, %scan3A_236 : vector<16xi1>, vector<16xi32>
      %add3A_294 = arith.addf %scan3A_251#16, %scan3A_251#10 : vector<16xf32>
      %lt3A_295 = arith.cmpf olt, %add3A_294, %scan3A_221 : vector<16xf32>
      %select_n3A_296 = arith.select %lt3A_295, %add3A_294, %scan3A_221 : vector<16xi1>, vector<16xf32>
      %select_n3A_297 = arith.select %lt3A_295, %add3A_255, %scan3A_237 : vector<16xi1>, vector<16xi32>
      %add3A_298 = arith.addf %scan3A_251#16, %scan3A_251#11 : vector<16xf32>
      %lt3A_299 = arith.cmpf olt, %add3A_298, %scan3A_222 : vector<16xf32>
      %select_n3A_300 = arith.select %lt3A_299, %add3A_298, %scan3A_222 : vector<16xi1>, vector<16xf32>
      %select_n3A_301 = arith.select %lt3A_299, %add3A_255, %scan3A_238 : vector<16xi1>, vector<16xi32>
      %add3A_302 = arith.addf %scan3A_251#16, %scan3A_251#12 : vector<16xf32>
      %lt3A_303 = arith.cmpf olt, %add3A_302, %scan3A_223 : vector<16xf32>
      %select_n3A_304 = arith.select %lt3A_303, %add3A_302, %scan3A_223 : vector<16xi1>, vector<16xf32>
      %select_n3A_305 = arith.select %lt3A_303, %add3A_255, %scan3A_239 : vector<16xi1>, vector<16xi32>
      %add3A_306 = arith.addf %scan3A_251#16, %scan3A_251#13 : vector<16xf32>
      %lt3A_307 = arith.cmpf olt, %add3A_306, %scan3A_224 : vector<16xf32>
      %select_n3A_308 = arith.select %lt3A_307, %add3A_306, %scan3A_224 : vector<16xi1>, vector<16xf32>
      %select_n3A_309 = arith.select %lt3A_307, %add3A_255, %scan3A_240 : vector<16xi1>, vector<16xi32>
      %add3A_310 = arith.addf %scan3A_251#16, %scan3A_251#14 : vector<16xf32>
      %lt3A_311 = arith.cmpf olt, %add3A_310, %scan3A_225 : vector<16xf32>
      %select_n3A_312 = arith.select %lt3A_311, %add3A_310, %scan3A_225 : vector<16xi1>, vector<16xf32>
      %select_n3A_313 = arith.select %lt3A_311, %add3A_255, %scan3A_241 : vector<16xi1>, vector<16xi32>
      %add3A_314 = arith.addf %scan3A_251#16, %scan3A_251#15 : vector<16xf32>
      %lt3A_315 = arith.cmpf olt, %add3A_314, %scan3A_226 : vector<16xf32>
      %select_n3A_316 = arith.select %lt3A_315, %add3A_314, %scan3A_226 : vector<16xi1>, vector<16xf32>
      %select_n3A_317 = arith.select %lt3A_315, %add3A_255, %scan3A_242 : vector<16xi1>, vector<16xi32>
      scf.yield %select_n3A, %select_n3A_260, %select_n3A_264, %select_n3A_268, %select_n3A_272, %select_n3A_276, %select_n3A_280, %select_n3A_284, %select_n3A_288, %select_n3A_292, %select_n3A_296, %select_n3A_300, %select_n3A_304, %select_n3A_308, %select_n3A_312, %select_n3A_316, %select_n3A_257, %select_n3A_261, %select_n3A_265, %select_n3A_269, %select_n3A_273, %select_n3A_277, %select_n3A_281, %select_n3A_285, %select_n3A_289, %select_n3A_293, %select_n3A_297, %select_n3A_301, %select_n3A_305, %select_n3A_309, %select_n3A_313, %select_n3A_317 : vector<16xf32>, vector<16xf32>, vector<16xf32>, vector<16xf32>, vector<16xf32>, vector<16xf32>, vector<16xf32>, vector<16xf32>, vector<16xf32>, vector<16xf32>, vector<16xf32>, vector<16xf32>, vector<16xf32>, vector<16xf32>, vector<16xf32>, vector<16xf32>, vector<16xi32>, vector<16xi32>, vector<16xi32>, vector<16xi32>, vector<16xi32>, vector<16xi32>, vector<16xi32>, vector<16xi32>, vector<16xi32>, vector<16xi32>, vector<16xi32>, vector<16xi32>, vector<16xi32>, vector<16xi32>, vector<16xi32>, vector<16xi32>
    }
    %scan3A_18 = arith.constant 64 : i32
    %swap3A = arith.constant 0 : i32
    %swap3A_19 = arith.index_cast %swap3A : i32 to index
    %swap3A_20 = arith.constant 0 : index
    %swap3A_21 = tpu.vector_load %arg8[%swap3A_19, %swap3A_20] {strides = array<i32>} : memref<16x16xf32, #tpu.memory_space<vmem>>, vector<1x16xf32>,
    %swap3A_22 = vector.shape_cast %swap3A_21 : vector<1x16xf32> to vector<16xf32>
    %swap3A_23 = vector.shape_cast %scan3A_17#0 : vector<16xf32> to vector<1x16xf32>
    tpu.vector_store %arg8[%swap3A_19, %swap3A_20], %swap3A_23 {strides = array<i32>} : memref<16x16xf32, #tpu.memory_space<vmem>>, vector<1x16xf32>,
    %swap3A_24 = arith.constant 0 : i32
    %swap3A_25 = arith.index_cast %swap3A_24 : i32 to index
    %swap3A_26 = arith.constant 0 : index
    %swap3A_27 = tpu.vector_load %arg9[%swap3A_25, %swap3A_26] {strides = array<i32>} : memref<16x16xi32, #tpu.memory_space<vmem>>, vector<1x16xi32>,
    %swap3A_28 = vector.shape_cast %swap3A_27 : vector<1x16xi32> to vector<16xi32>
    %swap3A_29 = vector.shape_cast %scan3A_17#16 : vector<16xi32> to vector<1x16xi32>
    tpu.vector_store %arg9[%swap3A_25, %swap3A_26], %swap3A_29 {strides = array<i32>} : memref<16x16xi32, #tpu.memory_space<vmem>>, vector<1x16xi32>,
    %swap3A_30 = arith.constant 1 : i32
    %swap3A_31 = arith.index_cast %swap3A_30 : i32 to index
    %swap3A_32 = arith.constant 0 : index
    %swap3A_33 = tpu.vector_load %arg8[%swap3A_31, %swap3A_32] {strides = array<i32>} : memref<16x16xf32, #tpu.memory_space<vmem>>, vector<1x16xf32>,
    %swap3A_34 = vector.shape_cast %swap3A_33 : vector<1x16xf32> to vector<16xf32>
    %swap3A_35 = vector.shape_cast %scan3A_17#1 : vector<16xf32> to vector<1x16xf32>
    tpu.vector_store %arg8[%swap3A_31, %swap3A_32], %swap3A_35 {strides = array<i32>} : memref<16x16xf32, #tpu.memory_space<vmem>>, vector<1x16xf32>,
    %swap3A_36 = arith.constant 1 : i32
    %swap3A_37 = arith.index_cast %swap3A_36 : i32 to index
    %swap3A_38 = arith.constant 0 : index
    %swap3A_39 = tpu.vector_load %arg9[%swap3A_37, %swap3A_38] {strides = array<i32>} : memref<16x16xi32, #tpu.memory_space<vmem>>, vector<1x16xi32>,
    %swap3A_40 = vector.shape_cast %swap3A_39 : vector<1x16xi32> to vector<16xi32>
    %swap3A_41 = vector.shape_cast %scan3A_17#17 : vector<16xi32> to vector<1x16xi32>
    tpu.vector_store %arg9[%swap3A_37, %swap3A_38], %swap3A_41 {strides = array<i32>} : memref<16x16xi32, #tpu.memory_space<vmem>>, vector<1x16xi32>,
    %swap3A_42 = arith.constant 2 : i32
    %swap3A_43 = arith.index_cast %swap3A_42 : i32 to index
    %swap3A_44 = arith.constant 0 : index
    %swap3A_45 = tpu.vector_load %arg8[%swap3A_43, %swap3A_44] {strides = array<i32>} : memref<16x16xf32, #tpu.memory_space<vmem>>, vector<1x16xf32>,
    %swap3A_46 = vector.shape_cast %swap3A_45 : vector<1x16xf32> to vector<16xf32>
    %swap3A_47 = vector.shape_cast %scan3A_17#2 : vector<16xf32> to vector<1x16xf32>
    tpu.vector_store %arg8[%swap3A_43, %swap3A_44], %swap3A_47 {strides = array<i32>} : memref<16x16xf32, #tpu.memory_space<vmem>>, vector<1x16xf32>,
    %swap3A_48 = arith.constant 2 : i32
    %swap3A_49 = arith.index_cast %swap3A_48 : i32 to index
    %swap3A_50 = arith.constant 0 : index
    %swap3A_51 = tpu.vector_load %arg9[%swap3A_49, %swap3A_50] {strides = array<i32>} : memref<16x16xi32, #tpu.memory_space<vmem>>, vector<1x16xi32>,
    %swap3A_52 = vector.shape_cast %swap3A_51 : vector<1x16xi32> to vector<16xi32>
    %swap3A_53 = vector.shape_cast %scan3A_17#18 : vector<16xi32> to vector<1x16xi32>
    tpu.vector_store %arg9[%swap3A_49, %swap3A_50], %swap3A_53 {strides = array<i32>} : memref<16x16xi32, #tpu.memory_space<vmem>>, vector<1x16xi32>,
    %swap3A_54 = arith.constant 3 : i32
    %swap3A_55 = arith.index_cast %swap3A_54 : i32 to index
    %swap3A_56 = arith.constant 0 : index
    %swap3A_57 = tpu.vector_load %arg8[%swap3A_55, %swap3A_56] {strides = array<i32>} : memref<16x16xf32, #tpu.memory_space<vmem>>, vector<1x16xf32>,
    %swap3A_58 = vector.shape_cast %swap3A_57 : vector<1x16xf32> to vector<16xf32>
    %swap3A_59 = vector.shape_cast %scan3A_17#3 : vector<16xf32> to vector<1x16xf32>
    tpu.vector_store %arg8[%swap3A_55, %swap3A_56], %swap3A_59 {strides = array<i32>} : memref<16x16xf32, #tpu.memory_space<vmem>>, vector<1x16xf32>,
    %swap3A_60 = arith.constant 3 : i32
    %swap3A_61 = arith.index_cast %swap3A_60 : i32 to index
    %swap3A_62 = arith.constant 0 : index
    %swap3A_63 = tpu.vector_load %arg9[%swap3A_61, %swap3A_62] {strides = array<i32>} : memref<16x16xi32, #tpu.memory_space<vmem>>, vector<1x16xi32>,
    %swap3A_64 = vector.shape_cast %swap3A_63 : vector<1x16xi32> to vector<16xi32>
    %swap3A_65 = vector.shape_cast %scan3A_17#19 : vector<16xi32> to vector<1x16xi32>
    tpu.vector_store %arg9[%swap3A_61, %swap3A_62], %swap3A_65 {strides = array<i32>} : memref<16x16xi32, #tpu.memory_space<vmem>>, vector<1x16xi32>,
    %swap3A_66 = arith.constant 4 : i32
    %swap3A_67 = arith.index_cast %swap3A_66 : i32 to index
    %swap3A_68 = arith.constant 0 : index
    %swap3A_69 = tpu.vector_load %arg8[%swap3A_67, %swap3A_68] {strides = array<i32>} : memref<16x16xf32, #tpu.memory_space<vmem>>, vector<1x16xf32>,
    %swap3A_70 = vector.shape_cast %swap3A_69 : vector<1x16xf32> to vector<16xf32>
    %swap3A_71 = vector.shape_cast %scan3A_17#4 : vector<16xf32> to vector<1x16xf32>
    tpu.vector_store %arg8[%swap3A_67, %swap3A_68], %swap3A_71 {strides = array<i32>} : memref<16x16xf32, #tpu.memory_space<vmem>>, vector<1x16xf32>,
    %swap3A_72 = arith.constant 4 : i32
    %swap3A_73 = arith.index_cast %swap3A_72 : i32 to index
    %swap3A_74 = arith.constant 0 : index
    %swap3A_75 = tpu.vector_load %arg9[%swap3A_73, %swap3A_74] {strides = array<i32>} : memref<16x16xi32, #tpu.memory_space<vmem>>, vector<1x16xi32>,
    %swap3A_76 = vector.shape_cast %swap3A_75 : vector<1x16xi32> to vector<16xi32>
    %swap3A_77 = vector.shape_cast %scan3A_17#20 : vector<16xi32> to vector<1x16xi32>
    tpu.vector_store %arg9[%swap3A_73, %swap3A_74], %swap3A_77 {strides = array<i32>} : memref<16x16xi32, #tpu.memory_space<vmem>>, vector<1x16xi32>,
    %swap3A_78 = arith.constant 5 : i32
    %swap3A_79 = arith.index_cast %swap3A_78 : i32 to index
    %swap3A_80 = arith.constant 0 : index
    %swap3A_81 = tpu.vector_load %arg8[%swap3A_79, %swap3A_80] {strides = array<i32>} : memref<16x16xf32, #tpu.memory_space<vmem>>, vector<1x16xf32>,
    %swap3A_82 = vector.shape_cast %swap3A_81 : vector<1x16xf32> to vector<16xf32>
    %swap3A_83 = vector.shape_cast %scan3A_17#5 : vector<16xf32> to vector<1x16xf32>
    tpu.vector_store %arg8[%swap3A_79, %swap3A_80], %swap3A_83 {strides = array<i32>} : memref<16x16xf32, #tpu.memory_space<vmem>>, vector<1x16xf32>,
    %swap3A_84 = arith.constant 5 : i32
    %swap3A_85 = arith.index_cast %swap3A_84 : i32 to index
    %swap3A_86 = arith.constant 0 : index
    %swap3A_87 = tpu.vector_load %arg9[%swap3A_85, %swap3A_86] {strides = array<i32>} : memref<16x16xi32, #tpu.memory_space<vmem>>, vector<1x16xi32>,
    %swap3A_88 = vector.shape_cast %swap3A_87 : vector<1x16xi32> to vector<16xi32>
    %swap3A_89 = vector.shape_cast %scan3A_17#21 : vector<16xi32> to vector<1x16xi32>
    tpu.vector_store %arg9[%swap3A_85, %swap3A_86], %swap3A_89 {strides = array<i32>} : memref<16x16xi32, #tpu.memory_space<vmem>>, vector<1x16xi32>,
    %swap3A_90 = arith.constant 6 : i32
    %swap3A_91 = arith.index_cast %swap3A_90 : i32 to index
    %swap3A_92 = arith.constant 0 : index
    %swap3A_93 = tpu.vector_load %arg8[%swap3A_91, %swap3A_92] {strides = array<i32>} : memref<16x16xf32, #tpu.memory_space<vmem>>, vector<1x16xf32>,
    %swap3A_94 = vector.shape_cast %swap3A_93 : vector<1x16xf32> to vector<16xf32>
    %swap3A_95 = vector.shape_cast %scan3A_17#6 : vector<16xf32> to vector<1x16xf32>
    tpu.vector_store %arg8[%swap3A_91, %swap3A_92], %swap3A_95 {strides = array<i32>} : memref<16x16xf32, #tpu.memory_space<vmem>>, vector<1x16xf32>,
    %swap3A_96 = arith.constant 6 : i32
    %swap3A_97 = arith.index_cast %swap3A_96 : i32 to index
    %swap3A_98 = arith.constant 0 : index
    %swap3A_99 = tpu.vector_load %arg9[%swap3A_97, %swap3A_98] {strides = array<i32>} : memref<16x16xi32, #tpu.memory_space<vmem>>, vector<1x16xi32>,
    %swap3A_100 = vector.shape_cast %swap3A_99 : vector<1x16xi32> to vector<16xi32>
    %swap3A_101 = vector.shape_cast %scan3A_17#22 : vector<16xi32> to vector<1x16xi32>
    tpu.vector_store %arg9[%swap3A_97, %swap3A_98], %swap3A_101 {strides = array<i32>} : memref<16x16xi32, #tpu.memory_space<vmem>>, vector<1x16xi32>,
    %swap3A_102 = arith.constant 7 : i32
    %swap3A_103 = arith.index_cast %swap3A_102 : i32 to index
    %swap3A_104 = arith.constant 0 : index
    %swap3A_105 = tpu.vector_load %arg8[%swap3A_103, %swap3A_104] {strides = array<i32>} : memref<16x16xf32, #tpu.memory_space<vmem>>, vector<1x16xf32>,
    %swap3A_106 = vector.shape_cast %swap3A_105 : vector<1x16xf32> to vector<16xf32>
    %swap3A_107 = vector.shape_cast %scan3A_17#7 : vector<16xf32> to vector<1x16xf32>
    tpu.vector_store %arg8[%swap3A_103, %swap3A_104], %swap3A_107 {strides = array<i32>} : memref<16x16xf32, #tpu.memory_space<vmem>>, vector<1x16xf32>,
    %swap3A_108 = arith.constant 7 : i32
    %swap3A_109 = arith.index_cast %swap3A_108 : i32 to index
    %swap3A_110 = arith.constant 0 : index
    %swap3A_111 = tpu.vector_load %arg9[%swap3A_109, %swap3A_110] {strides = array<i32>} : memref<16x16xi32, #tpu.memory_space<vmem>>, vector<1x16xi32>,
    %swap3A_112 = vector.shape_cast %swap3A_111 : vector<1x16xi32> to vector<16xi32>
    %swap3A_113 = vector.shape_cast %scan3A_17#23 : vector<16xi32> to vector<1x16xi32>
    tpu.vector_store %arg9[%swap3A_109, %swap3A_110], %swap3A_113 {strides = array<i32>} : memref<16x16xi32, #tpu.memory_space<vmem>>, vector<1x16xi32>,
    %swap3A_114 = arith.constant 8 : i32
    %swap3A_115 = arith.index_cast %swap3A_114 : i32 to index
    %swap3A_116 = arith.constant 0 : index
    %swap3A_117 = tpu.vector_load %arg8[%swap3A_115, %swap3A_116] {strides = array<i32>} : memref<16x16xf32, #tpu.memory_space<vmem>>, vector<1x16xf32>,
    %swap3A_118 = vector.shape_cast %swap3A_117 : vector<1x16xf32> to vector<16xf32>
    %swap3A_119 = vector.shape_cast %scan3A_17#8 : vector<16xf32> to vector<1x16xf32>
    tpu.vector_store %arg8[%swap3A_115, %swap3A_116], %swap3A_119 {strides = array<i32>} : memref<16x16xf32, #tpu.memory_space<vmem>>, vector<1x16xf32>,
    %swap3A_120 = arith.constant 8 : i32
    %swap3A_121 = arith.index_cast %swap3A_120 : i32 to index
    %swap3A_122 = arith.constant 0 : index
    %swap3A_123 = tpu.vector_load %arg9[%swap3A_121, %swap3A_122] {strides = array<i32>} : memref<16x16xi32, #tpu.memory_space<vmem>>, vector<1x16xi32>,
    %swap3A_124 = vector.shape_cast %swap3A_123 : vector<1x16xi32> to vector<16xi32>
    %swap3A_125 = vector.shape_cast %scan3A_17#24 : vector<16xi32> to vector<1x16xi32>
    tpu.vector_store %arg9[%swap3A_121, %swap3A_122], %swap3A_125 {strides = array<i32>} : memref<16x16xi32, #tpu.memory_space<vmem>>, vector<1x16xi32>,
    %swap3A_126 = arith.constant 9 : i32
    %swap3A_127 = arith.index_cast %swap3A_126 : i32 to index
    %swap3A_128 = arith.constant 0 : index
    %swap3A_129 = tpu.vector_load %arg8[%swap3A_127, %swap3A_128] {strides = array<i32>} : memref<16x16xf32, #tpu.memory_space<vmem>>, vector<1x16xf32>,
    %swap3A_130 = vector.shape_cast %swap3A_129 : vector<1x16xf32> to vector<16xf32>
    %swap3A_131 = vector.shape_cast %scan3A_17#9 : vector<16xf32> to vector<1x16xf32>
    tpu.vector_store %arg8[%swap3A_127, %swap3A_128], %swap3A_131 {strides = array<i32>} : memref<16x16xf32, #tpu.memory_space<vmem>>, vector<1x16xf32>,
    %swap3A_132 = arith.constant 9 : i32
    %swap3A_133 = arith.index_cast %swap3A_132 : i32 to index
    %swap3A_134 = arith.constant 0 : index
    %swap3A_135 = tpu.vector_load %arg9[%swap3A_133, %swap3A_134] {strides = array<i32>} : memref<16x16xi32, #tpu.memory_space<vmem>>, vector<1x16xi32>,
    %swap3A_136 = vector.shape_cast %swap3A_135 : vector<1x16xi32> to vector<16xi32>
    %swap3A_137 = vector.shape_cast %scan3A_17#25 : vector<16xi32> to vector<1x16xi32>
    tpu.vector_store %arg9[%swap3A_133, %swap3A_134], %swap3A_137 {strides = array<i32>} : memref<16x16xi32, #tpu.memory_space<vmem>>, vector<1x16xi32>,
    %swap3A_138 = arith.constant 10 : i32
    %swap3A_139 = arith.index_cast %swap3A_138 : i32 to index
    %swap3A_140 = arith.constant 0 : index
    %swap3A_141 = tpu.vector_load %arg8[%swap3A_139, %swap3A_140] {strides = array<i32>} : memref<16x16xf32, #tpu.memory_space<vmem>>, vector<1x16xf32>,
    %swap3A_142 = vector.shape_cast %swap3A_141 : vector<1x16xf32> to vector<16xf32>
    %swap3A_143 = vector.shape_cast %scan3A_17#10 : vector<16xf32> to vector<1x16xf32>
    tpu.vector_store %arg8[%swap3A_139, %swap3A_140], %swap3A_143 {strides = array<i32>} : memref<16x16xf32, #tpu.memory_space<vmem>>, vector<1x16xf32>,
    %swap3A_144 = arith.constant 10 : i32
    %swap3A_145 = arith.index_cast %swap3A_144 : i32 to index
    %swap3A_146 = arith.constant 0 : index
    %swap3A_147 = tpu.vector_load %arg9[%swap3A_145, %swap3A_146] {strides = array<i32>} : memref<16x16xi32, #tpu.memory_space<vmem>>, vector<1x16xi32>,
    %swap3A_148 = vector.shape_cast %swap3A_147 : vector<1x16xi32> to vector<16xi32>
    %swap3A_149 = vector.shape_cast %scan3A_17#26 : vector<16xi32> to vector<1x16xi32>
    tpu.vector_store %arg9[%swap3A_145, %swap3A_146], %swap3A_149 {strides = array<i32>} : memref<16x16xi32, #tpu.memory_space<vmem>>, vector<1x16xi32>,
    %swap3A_150 = arith.constant 11 : i32
    %swap3A_151 = arith.index_cast %swap3A_150 : i32 to index
    %swap3A_152 = arith.constant 0 : index
    %swap3A_153 = tpu.vector_load %arg8[%swap3A_151, %swap3A_152] {strides = array<i32>} : memref<16x16xf32, #tpu.memory_space<vmem>>, vector<1x16xf32>,
    %swap3A_154 = vector.shape_cast %swap3A_153 : vector<1x16xf32> to vector<16xf32>
    %swap3A_155 = vector.shape_cast %scan3A_17#11 : vector<16xf32> to vector<1x16xf32>
    tpu.vector_store %arg8[%swap3A_151, %swap3A_152], %swap3A_155 {strides = array<i32>} : memref<16x16xf32, #tpu.memory_space<vmem>>, vector<1x16xf32>,
    %swap3A_156 = arith.constant 11 : i32
    %swap3A_157 = arith.index_cast %swap3A_156 : i32 to index
    %swap3A_158 = arith.constant 0 : index
    %swap3A_159 = tpu.vector_load %arg9[%swap3A_157, %swap3A_158] {strides = array<i32>} : memref<16x16xi32, #tpu.memory_space<vmem>>, vector<1x16xi32>,
    %swap3A_160 = vector.shape_cast %swap3A_159 : vector<1x16xi32> to vector<16xi32>
    %swap3A_161 = vector.shape_cast %scan3A_17#27 : vector<16xi32> to vector<1x16xi32>
    tpu.vector_store %arg9[%swap3A_157, %swap3A_158], %swap3A_161 {strides = array<i32>} : memref<16x16xi32, #tpu.memory_space<vmem>>, vector<1x16xi32>,
    %swap3A_162 = arith.constant 12 : i32
    %swap3A_163 = arith.index_cast %swap3A_162 : i32 to index
    %swap3A_164 = arith.constant 0 : index
    %swap3A_165 = tpu.vector_load %arg8[%swap3A_163, %swap3A_164] {strides = array<i32>} : memref<16x16xf32, #tpu.memory_space<vmem>>, vector<1x16xf32>,
    %swap3A_166 = vector.shape_cast %swap3A_165 : vector<1x16xf32> to vector<16xf32>
    %swap3A_167 = vector.shape_cast %scan3A_17#12 : vector<16xf32> to vector<1x16xf32>
    tpu.vector_store %arg8[%swap3A_163, %swap3A_164], %swap3A_167 {strides = array<i32>} : memref<16x16xf32, #tpu.memory_space<vmem>>, vector<1x16xf32>,
    %swap3A_168 = arith.constant 12 : i32
    %swap3A_169 = arith.index_cast %swap3A_168 : i32 to index
    %swap3A_170 = arith.constant 0 : index
    %swap3A_171 = tpu.vector_load %arg9[%swap3A_169, %swap3A_170] {strides = array<i32>} : memref<16x16xi32, #tpu.memory_space<vmem>>, vector<1x16xi32>,
    %swap3A_172 = vector.shape_cast %swap3A_171 : vector<1x16xi32> to vector<16xi32>
    %swap3A_173 = vector.shape_cast %scan3A_17#28 : vector<16xi32> to vector<1x16xi32>
    tpu.vector_store %arg9[%swap3A_169, %swap3A_170], %swap3A_173 {strides = array<i32>} : memref<16x16xi32, #tpu.memory_space<vmem>>, vector<1x16xi32>,
    %swap3A_174 = arith.constant 13 : i32
    %swap3A_175 = arith.index_cast %swap3A_174 : i32 to index
    %swap3A_176 = arith.constant 0 : index
    %swap3A_177 = tpu.vector_load %arg8[%swap3A_175, %swap3A_176] {strides = array<i32>} : memref<16x16xf32, #tpu.memory_space<vmem>>, vector<1x16xf32>,
    %swap3A_178 = vector.shape_cast %swap3A_177 : vector<1x16xf32> to vector<16xf32>
    %swap3A_179 = vector.shape_cast %scan3A_17#13 : vector<16xf32> to vector<1x16xf32>
    tpu.vector_store %arg8[%swap3A_175, %swap3A_176], %swap3A_179 {strides = array<i32>} : memref<16x16xf32, #tpu.memory_space<vmem>>, vector<1x16xf32>,
    %swap3A_180 = arith.constant 13 : i32
    %swap3A_181 = arith.index_cast %swap3A_180 : i32 to index
    %swap3A_182 = arith.constant 0 : index
    %swap3A_183 = tpu.vector_load %arg9[%swap3A_181, %swap3A_182] {strides = array<i32>} : memref<16x16xi32, #tpu.memory_space<vmem>>, vector<1x16xi32>,
    %swap3A_184 = vector.shape_cast %swap3A_183 : vector<1x16xi32> to vector<16xi32>
    %swap3A_185 = vector.shape_cast %scan3A_17#29 : vector<16xi32> to vector<1x16xi32>
    tpu.vector_store %arg9[%swap3A_181, %swap3A_182], %swap3A_185 {strides = array<i32>} : memref<16x16xi32, #tpu.memory_space<vmem>>, vector<1x16xi32>,
    %swap3A_186 = arith.constant 14 : i32
    %swap3A_187 = arith.index_cast %swap3A_186 : i32 to index
    %swap3A_188 = arith.constant 0 : index
    %swap3A_189 = tpu.vector_load %arg8[%swap3A_187, %swap3A_188] {strides = array<i32>} : memref<16x16xf32, #tpu.memory_space<vmem>>, vector<1x16xf32>,
    %swap3A_190 = vector.shape_cast %swap3A_189 : vector<1x16xf32> to vector<16xf32>
    %swap3A_191 = vector.shape_cast %scan3A_17#14 : vector<16xf32> to vector<1x16xf32>
    tpu.vector_store %arg8[%swap3A_187, %swap3A_188], %swap3A_191 {strides = array<i32>} : memref<16x16xf32, #tpu.memory_space<vmem>>, vector<1x16xf32>,
    %swap3A_192 = arith.constant 14 : i32
    %swap3A_193 = arith.index_cast %swap3A_192 : i32 to index
    %swap3A_194 = arith.constant 0 : index
    %swap3A_195 = tpu.vector_load %arg9[%swap3A_193, %swap3A_194] {strides = array<i32>} : memref<16x16xi32, #tpu.memory_space<vmem>>, vector<1x16xi32>,
    %swap3A_196 = vector.shape_cast %swap3A_195 : vector<1x16xi32> to vector<16xi32>
    %swap3A_197 = vector.shape_cast %scan3A_17#30 : vector<16xi32> to vector<1x16xi32>
    tpu.vector_store %arg9[%swap3A_193, %swap3A_194], %swap3A_197 {strides = array<i32>} : memref<16x16xi32, #tpu.memory_space<vmem>>, vector<1x16xi32>,
    %swap3A_198 = arith.constant 15 : i32
    %swap3A_199 = arith.index_cast %swap3A_198 : i32 to index
    %swap3A_200 = arith.constant 0 : index
    %swap3A_201 = tpu.vector_load %arg8[%swap3A_199, %swap3A_200] {strides = array<i32>} : memref<16x16xf32, #tpu.memory_space<vmem>>, vector<1x16xf32>,
    %swap3A_202 = vector.shape_cast %swap3A_201 : vector<1x16xf32> to vector<16xf32>
    %swap3A_203 = vector.shape_cast %scan3A_17#15 : vector<16xf32> to vector<1x16xf32>
    tpu.vector_store %arg8[%swap3A_199, %swap3A_200], %swap3A_203 {strides = array<i32>} : memref<16x16xf32, #tpu.memory_space<vmem>>, vector<1x16xf32>,
    %swap3A_204 = arith.constant 15 : i32
    %swap3A_205 = arith.index_cast %swap3A_204 : i32 to index
    %swap3A_206 = arith.constant 0 : index
    %swap3A_207 = tpu.vector_load %arg9[%swap3A_205, %swap3A_206] {strides = array<i32>} : memref<16x16xi32, #tpu.memory_space<vmem>>, vector<1x16xi32>,
    %swap3A_208 = vector.shape_cast %swap3A_207 : vector<1x16xi32> to vector<16xi32>
    %swap3A_209 = vector.shape_cast %scan3A_17#31 : vector<16xi32> to vector<1x16xi32>
    tpu.vector_store %arg9[%swap3A_205, %swap3A_206], %swap3A_209 {strides = array<i32>} : memref<16x16xi32, #tpu.memory_space<vmem>>, vector<1x16xi32>,
    "tpu.region"() ({
      %run_scoped3A = tpu.sem_alloc : memref<!tpu.dma_semaphore, #tpu.memory_space<semaphore_mem>>
      %dma_start3A_210 = arith.constant 0 : i32
      %dma_start3A_211 = arith.constant 0 : i32
      %dma_start3A_212 = tpu.memref_slice %arg4[%add3A, %dma_start3A_210, %dma_start3A_211] : memref<32x16x16xf32, #tpu.memory_space<hbm>> -> memref<1x16x16xf32, #tpu.memory_space<hbm>>
      %dma_start3A_213 = tpu.memref_squeeze %dma_start3A_212 : memref<1x16x16xf32, #tpu.memory_space<hbm>> -> memref<16x16xf32, #tpu.memory_space<hbm>>
      %dma_start3A_214 = arith.constant 0 : i32
      %dma_start3A_215 = arith.constant 0 : i32
      %dma_start3A_216 = tpu.memref_slice %arg4[%add3A, %dma_start3A_214, %dma_start3A_215] : memref<32x16x16xf32, #tpu.memory_space<hbm>> -> memref<1x16x16xf32, #tpu.memory_space<hbm>>
      %dma_start3A_217 = tpu.memref_squeeze %dma_start3A_216 : memref<1x16x16xf32, #tpu.memory_space<hbm>> -> memref<16x16xf32, #tpu.memory_space<hbm>>
      tpu.enqueue_dma source(%arg8 : memref<16x16xf32, #tpu.memory_space<vmem>>) target(%dma_start3A_217 : memref<16x16xf32, #tpu.memory_space<hbm>>) target_semaphore(%run_scoped3A : memref<!tpu.dma_semaphore, #tpu.memory_space<semaphore_mem>>)
      %dma_wait3A_218 = arith.constant 0 : i32
      %dma_wait3A_219 = arith.constant 0 : i32
      %dma_wait3A_220 = tpu.memref_slice %arg4[%add3A, %dma_wait3A_218, %dma_wait3A_219] : memref<32x16x16xf32, #tpu.memory_space<hbm>> -> memref<1x16x16xf32, #tpu.memory_space<hbm>>
      %dma_wait3A_221 = tpu.memref_squeeze %dma_wait3A_220 : memref<1x16x16xf32, #tpu.memory_space<hbm>> -> memref<16x16xf32, #tpu.memory_space<hbm>>
      %dma_wait3A_222 = arith.constant 0 : i32
      %dma_wait3A_223 = arith.constant 0 : i32
      %dma_wait3A_224 = tpu.memref_slice %arg4[%add3A, %dma_wait3A_222, %dma_wait3A_223] : memref<32x16x16xf32, #tpu.memory_space<hbm>> -> memref<1x16x16xf32, #tpu.memory_space<hbm>>
      %dma_wait3A_225 = tpu.memref_squeeze %dma_wait3A_224 : memref<1x16x16xf32, #tpu.memory_space<hbm>> -> memref<16x16xf32, #tpu.memory_space<hbm>>
      tpu.wait_dma2 semaphore(%run_scoped3A : memref<!tpu.dma_semaphore, #tpu.memory_space<semaphore_mem>>) src(%arg8 : memref<16x16xf32, #tpu.memory_space<vmem>>) dst(%dma_wait3A_225 : memref<16x16xf32, #tpu.memory_space<hbm>>)
      tpu.yield
    }) : () -> ()
    "tpu.region"() ({
      %run_scoped3A = tpu.sem_alloc : memref<!tpu.dma_semaphore, #tpu.memory_space<semaphore_mem>>
      %dma_start3A_210 = arith.constant 0 : i32
      %dma_start3A_211 = arith.constant 0 : i32
      %dma_start3A_212 = tpu.memref_slice %arg5[%add3A, %dma_start3A_210, %dma_start3A_211] : memref<32x16x16xi32, #tpu.memory_space<hbm>> -> memref<1x16x16xi32, #tpu.memory_space<hbm>>
      %dma_start3A_213 = tpu.memref_squeeze %dma_start3A_212 : memref<1x16x16xi32, #tpu.memory_space<hbm>> -> memref<16x16xi32, #tpu.memory_space<hbm>>
      %dma_start3A_214 = arith.constant 0 : i32
      %dma_start3A_215 = arith.constant 0 : i32
      %dma_start3A_216 = tpu.memref_slice %arg5[%add3A, %dma_start3A_214, %dma_start3A_215] : memref<32x16x16xi32, #tpu.memory_space<hbm>> -> memref<1x16x16xi32, #tpu.memory_space<hbm>>
      %dma_start3A_217 = tpu.memref_squeeze %dma_start3A_216 : memref<1x16x16xi32, #tpu.memory_space<hbm>> -> memref<16x16xi32, #tpu.memory_space<hbm>>
      tpu.enqueue_dma source(%arg9 : memref<16x16xi32, #tpu.memory_space<vmem>>) target(%dma_start3A_217 : memref<16x16xi32, #tpu.memory_space<hbm>>) target_semaphore(%run_scoped3A : memref<!tpu.dma_semaphore, #tpu.memory_space<semaphore_mem>>)
      %dma_wait3A_218 = arith.constant 0 : i32
      %dma_wait3A_219 = arith.constant 0 : i32
      %dma_wait3A_220 = tpu.memref_slice %arg5[%add3A, %dma_wait3A_218, %dma_wait3A_219] : memref<32x16x16xi32, #tpu.memory_space<hbm>> -> memref<1x16x16xi32, #tpu.memory_space<hbm>>
      %dma_wait3A_221 = tpu.memref_squeeze %dma_wait3A_220 : memref<1x16x16xi32, #tpu.memory_space<hbm>> -> memref<16x16xi32, #tpu.memory_space<hbm>>
      %dma_wait3A_222 = arith.constant 0 : i32
      %dma_wait3A_223 = arith.constant 0 : i32
      %dma_wait3A_224 = tpu.memref_slice %arg5[%add3A, %dma_wait3A_222, %dma_wait3A_223] : memref<32x16x16xi32, #tpu.memory_space<hbm>> -> memref<1x16x16xi32, #tpu.memory_space<hbm>>
      %dma_wait3A_225 = tpu.memref_squeeze %dma_wait3A_224 : memref<1x16x16xi32, #tpu.memory_space<hbm>> -> memref<16x16xi32, #tpu.memory_space<hbm>>
      tpu.wait_dma2 semaphore(%run_scoped3A : memref<!tpu.dma_semaphore, #tpu.memory_space<semaphore_mem>>) src(%arg9 : memref<16x16xi32, #tpu.memory_space<vmem>>) dst(%dma_wait3A_225 : memref<16x16xi32, #tpu.memory_space<hbm>>)
      tpu.yield
    }) : () -> ()
    return
  }
}

module attributes {stable_mosaic.version = 14 : i64} {
  func.func @_nn_kernel(%arg0: i32, %arg1: memref<16x64xf32, #tpu.memory_space<vmem>>, %arg2: memref<16x64xf32, #tpu.memory_space<vmem>>, %arg3: memref<64x6976xf32, #tpu.memory_space<vmem>>, %arg4: memref<64x1000000xf32, #tpu.memory_space<any>>, %arg5: memref<16x1xf32, #tpu.memory_space<vmem>>, %arg6: memref<16x1xi32, #tpu.memory_space<vmem>>, %arg7: memref<3x64x30976xf32, #tpu.memory_space<vmem>>, %arg8: memref<3x!tpu.dma_semaphore, #tpu.memory_space<semaphore_mem>>, %arg9: memref<16x1xf32, #tpu.memory_space<vmem>>, %arg10: memref<16x1xi32, #tpu.memory_space<vmem>>) attributes {dimension_semantics = [#tpu.dimension_semantics<arbitrary>], iteration_bounds = array<i64: 31>, scalar_prefetch = 0 : i64, scratch_operands = 4 : i64, tpu.core_type = #tpu.core_type<tc>, window_params = [{pipeline_mode = #tpu.pipeline_mode<synchronous>, transform_indices = @transform_0, window_bounds = array<i64: 16, 64>}, {pipeline_mode = #tpu.pipeline_mode<synchronous>, transform_indices = @transform_1, window_bounds = array<i64: 16, 64>}, {pipeline_mode = #tpu.pipeline_mode<synchronous>, transform_indices = @transform_2, window_bounds = array<i64: 64, 6976>}, {}, {pipeline_mode = #tpu.pipeline_mode<synchronous>, transform_indices = @transform_4, window_bounds = array<i64: 16, 1>}, {pipeline_mode = #tpu.pipeline_mode<synchronous>, transform_indices = @transform_5, window_bounds = array<i64: 16, 1>}]} {
    %get3A = arith.constant 0 : index
    %get3A_0 = arith.constant 0 : index
    %get3A_1 = vector.load %arg1[%get3A, %get3A_0] : memref<16x64xf32, #tpu.memory_space<vmem>>, vector<16x64xf32>
    %get3A_2 = arith.constant 0 : index
    %get3A_3 = arith.constant 0 : index
    %get3A_4 = vector.load %arg2[%get3A_2, %get3A_3] : memref<16x64xf32, #tpu.memory_space<vmem>>, vector<16x64xf32>
    %broadcast_in_dim3A = arith.constant 1.000000e+00 : f32
    %broadcast_in_dim3A_5 = vector.broadcast %broadcast_in_dim3A : f32 to vector<16x64xf32>
    %eq3A = arith.constant 0 : i32
    %eq3A_6 = arith.cmpi eq, %arg0, %eq3A : i32
    %convert_element_type3A = arith.extui %eq3A_6 : i1 to i32
    %cond3A = arith.constant 0 : i32
    %cond3A_7 = arith.cmpi ne, %convert_element_type3A, %cond3A : i32
    scf.if %cond3A_7 {
      %dma_start3A = arith.constant 0 : i32
      %dma_start3A_268 = arith.constant 0 : i32
      %dma_start3A_269 = tpu.memref_slice %arg8[%dma_start3A_268] : memref<3x!tpu.dma_semaphore, #tpu.memory_space<semaphore_mem>> -> memref<1x!tpu.dma_semaphore, #tpu.memory_space<semaphore_mem>>
      %dma_start3A_270 = tpu.memref_squeeze %dma_start3A_269 : memref<1x!tpu.dma_semaphore, #tpu.memory_space<semaphore_mem>> -> memref<!tpu.dma_semaphore, #tpu.memory_space<semaphore_mem>>
      %dma_start3A_271 = arith.constant 0 : i32
      %dma_start3A_272 = arith.constant 0 : i32
      %dma_start3A_273 = tpu.memref_slice %arg7[%dma_start3A, %dma_start3A_271, %dma_start3A_272] : memref<3x64x30976xf32, #tpu.memory_space<vmem>> -> memref<1x64x30976xf32, #tpu.memory_space<vmem>>
      %dma_start3A_274 = tpu.memref_squeeze %dma_start3A_273 : memref<1x64x30976xf32, #tpu.memory_space<vmem>> -> memref<64x30976xf32, #tpu.memory_space<vmem>>
      %dma_start3A_275 = arith.constant 0 : i32
      %dma_start3A_276 = arith.constant 32768 : i32
      %dma_start3A_277 = tpu.memref_slice %arg4[%dma_start3A_275, %dma_start3A_276] : memref<64x1000000xf32, #tpu.memory_space<any>> -> memref<64x30976xf32, #tpu.memory_space<any>>
      tpu.enqueue_dma source(%dma_start3A_277 : memref<64x30976xf32, #tpu.memory_space<any>>) target(%dma_start3A_274 : memref<64x30976xf32, #tpu.memory_space<vmem>>) target_semaphore(%dma_start3A_270 : memref<!tpu.dma_semaphore, #tpu.memory_space<semaphore_mem>>)
      %dma_start3A_278 = arith.constant 1 : i32
      %dma_start3A_279 = arith.constant 1 : i32
      %dma_start3A_280 = tpu.memref_slice %arg8[%dma_start3A_279] : memref<3x!tpu.dma_semaphore, #tpu.memory_space<semaphore_mem>> -> memref<1x!tpu.dma_semaphore, #tpu.memory_space<semaphore_mem>>
      %dma_start3A_281 = tpu.memref_squeeze %dma_start3A_280 : memref<1x!tpu.dma_semaphore, #tpu.memory_space<semaphore_mem>> -> memref<!tpu.dma_semaphore, #tpu.memory_space<semaphore_mem>>
      %dma_start3A_282 = arith.constant 0 : i32
      %dma_start3A_283 = arith.constant 0 : i32
      %dma_start3A_284 = tpu.memref_slice %arg7[%dma_start3A_278, %dma_start3A_282, %dma_start3A_283] : memref<3x64x30976xf32, #tpu.memory_space<vmem>> -> memref<1x64x30976xf32, #tpu.memory_space<vmem>>
      %dma_start3A_285 = tpu.memref_squeeze %dma_start3A_284 : memref<1x64x30976xf32, #tpu.memory_space<vmem>> -> memref<64x30976xf32, #tpu.memory_space<vmem>>
      %dma_start3A_286 = arith.constant 0 : i32
      %dma_start3A_287 = arith.constant 63744 : i32
      %dma_start3A_288 = tpu.memref_slice %arg4[%dma_start3A_286, %dma_start3A_287] : memref<64x1000000xf32, #tpu.memory_space<any>> -> memref<64x30976xf32, #tpu.memory_space<any>>
      tpu.enqueue_dma source(%dma_start3A_288 : memref<64x30976xf32, #tpu.memory_space<any>>) target(%dma_start3A_285 : memref<64x30976xf32, #tpu.memory_space<vmem>>) target_semaphore(%dma_start3A_281 : memref<!tpu.dma_semaphore, #tpu.memory_space<semaphore_mem>>)
      %dma_start3A_289 = arith.constant 2 : i32
      %dma_start3A_290 = arith.constant 2 : i32
      %dma_start3A_291 = tpu.memref_slice %arg8[%dma_start3A_290] : memref<3x!tpu.dma_semaphore, #tpu.memory_space<semaphore_mem>> -> memref<1x!tpu.dma_semaphore, #tpu.memory_space<semaphore_mem>>
      %dma_start3A_292 = tpu.memref_squeeze %dma_start3A_291 : memref<1x!tpu.dma_semaphore, #tpu.memory_space<semaphore_mem>> -> memref<!tpu.dma_semaphore, #tpu.memory_space<semaphore_mem>>
      %dma_start3A_293 = arith.constant 0 : i32
      %dma_start3A_294 = arith.constant 0 : i32
      %dma_start3A_295 = tpu.memref_slice %arg7[%dma_start3A_289, %dma_start3A_293, %dma_start3A_294] : memref<3x64x30976xf32, #tpu.memory_space<vmem>> -> memref<1x64x30976xf32, #tpu.memory_space<vmem>>
      %dma_start3A_296 = tpu.memref_squeeze %dma_start3A_295 : memref<1x64x30976xf32, #tpu.memory_space<vmem>> -> memref<64x30976xf32, #tpu.memory_space<vmem>>
      %dma_start3A_297 = arith.constant 0 : i32
      %dma_start3A_298 = arith.constant 94720 : i32
      %dma_start3A_299 = tpu.memref_slice %arg4[%dma_start3A_297, %dma_start3A_298] : memref<64x1000000xf32, #tpu.memory_space<any>> -> memref<64x30976xf32, #tpu.memory_space<any>>
      tpu.enqueue_dma source(%dma_start3A_299 : memref<64x30976xf32, #tpu.memory_space<any>>) target(%dma_start3A_296 : memref<64x30976xf32, #tpu.memory_space<vmem>>) target_semaphore(%dma_start3A_292 : memref<!tpu.dma_semaphore, #tpu.memory_space<semaphore_mem>>)
      %get3A_300 = arith.constant 0 : index
      %get3A_301 = arith.constant 0 : index
      %get3A_302 = vector.load %arg3[%get3A_300, %get3A_301] : memref<64x6976xf32, #tpu.memory_space<vmem>>, vector<64x6976xf32>
      %convert_element_type3A_303 = arith.truncf %get3A_302 : vector<64x6976xf32> to vector<64x6976xbf16>
      %convert_element_type3A_304 = arith.extf %convert_element_type3A_303 : vector<64x6976xbf16> to vector<64x6976xf32>
      %sub3A_305 = arith.subf %get3A_302, %convert_element_type3A_304 : vector<64x6976xf32>
      %mul3A_306 = arith.mulf %get3A_302, %get3A_302 : vector<64x6976xf32>
      %convert_element_type3A_307 = arith.truncf %mul3A_306 : vector<64x6976xf32> to vector<64x6976xbf16>
      %convert_element_type3A_308 = arith.extf %convert_element_type3A_307 : vector<64x6976xbf16> to vector<64x6976xf32>
      %sub3A_309 = arith.subf %mul3A_306, %convert_element_type3A_308 : vector<64x6976xf32>
      %dot_general3A_310 = arith.constant dense<0.000000e+00> : vector<16x6976xf32>
      %dot_general3A_311 = tpu.matmul %get3A_1, %convert_element_type3A_304, %dot_general3A_310 {dimension_numbers = #tpu.dot_dimension_numbers<[1], [0], [0], [1], [0, 0, 1, 1], [], []>, transpose_lhs_hint = false} : vector<16x64xf32>, vector<64x6976xf32>, vector<16x6976xf32> -> vector<16x6976xf32>
      %dot_general3A_312 = arith.constant dense<0.000000e+00> : vector<16x6976xf32>
      %dot_general3A_313 = tpu.matmul %get3A_1, %sub3A_305, %dot_general3A_312 {dimension_numbers = #tpu.dot_dimension_numbers<[1], [0], [0], [1], [0, 0, 1, 1], [], []>, transpose_lhs_hint = false} : vector<16x64xf32>, vector<64x6976xf32>, vector<16x6976xf32> -> vector<16x6976xf32>
      %add3A_314 = arith.addf %dot_general3A_311, %dot_general3A_313 : vector<16x6976xf32>
      %dot_general3A_315 = arith.constant dense<0.000000e+00> : vector<16x6976xf32>
      %dot_general3A_316 = tpu.matmul %get3A_4, %convert_element_type3A_304, %dot_general3A_315 {dimension_numbers = #tpu.dot_dimension_numbers<[1], [0], [0], [1], [0, 0, 1, 1], [], []>, transpose_lhs_hint = false} : vector<16x64xf32>, vector<64x6976xf32>, vector<16x6976xf32> -> vector<16x6976xf32>
      %dot_general3A_317 = arith.constant dense<0.000000e+00> : vector<16x6976xf32>
      %dot_general3A_318 = tpu.matmul %broadcast_in_dim3A_5, %convert_element_type3A_308, %dot_general3A_317 {dimension_numbers = #tpu.dot_dimension_numbers<[1], [0], [0], [1], [0, 0, 1, 1], [], []>, transpose_lhs_hint = false} : vector<16x64xf32>, vector<64x6976xf32>, vector<16x6976xf32> -> vector<16x6976xf32>
      %dot_general3A_319 = arith.constant dense<0.000000e+00> : vector<16x6976xf32>
      %dot_general3A_320 = tpu.matmul %broadcast_in_dim3A_5, %sub3A_309, %dot_general3A_319 {dimension_numbers = #tpu.dot_dimension_numbers<[1], [0], [0], [1], [0, 0, 1, 1], [], []>, transpose_lhs_hint = false} : vector<16x64xf32>, vector<64x6976xf32>, vector<16x6976xf32> -> vector<16x6976xf32>
      %add3A_321 = arith.addf %dot_general3A_318, %dot_general3A_320 : vector<16x6976xf32>
      %add3A_322 = arith.addf %dot_general3A_316, %add3A_321 : vector<16x6976xf32>
      %add3A_323 = arith.addf %add3A_314, %add3A_322 : vector<16x6976xf32>
      %reduce_min3A_324 = arith.constant dense<0x7F800000> : vector<16xf32>
      %reduce_min3A_325 = vector.multi_reduction <minimumf>, %add3A_323, %reduce_min3A_324 [1] : vector<16x6976xf32> to vector<16xf32>
      %broadcast_in_dim3A_326 = vector.shape_cast %reduce_min3A_325 : vector<16xf32> to vector<16x1xf32>
      %iota3A_327 = tpu.iota {dimensions = array<i32: 1>} : vector<16x6976xi32>
      %eq3A_328 = vector.broadcast %broadcast_in_dim3A_326 : vector<16x1xf32> to vector<16x6976xf32>
      %eq3A_329 = arith.cmpf oeq, %add3A_323, %eq3A_328 : vector<16x6976xf32>
      %jit3A_330 = arith.constant 1000000 : i32
      %broadcast_in_dim3A_331 = vector.broadcast %jit3A_330 : i32 to vector<16x6976xi32>
      %select_n3A_332 = arith.select %eq3A_329, %iota3A_327, %broadcast_in_dim3A_331 : vector<16x6976xi1>, vector<16x6976xi32>
      %reduce_min3A_333 = arith.constant dense<2147483647> : vector<16xi32>
      %reduce_min3A_334 = vector.multi_reduction <minsi>, %select_n3A_332, %reduce_min3A_333 [1] : vector<16x6976xi32> to vector<16xi32>
      %broadcast_in_dim3A_335 = vector.shape_cast %reduce_min3A_334 : vector<16xi32> to vector<16x1xi32>
      %add3A_336 = arith.constant 993024 : i32
      %add3A_337 = vector.broadcast %add3A_336 : i32 to vector<16x1xi32>
      %add3A_338 = arith.addi %add3A_337, %broadcast_in_dim3A_335 : vector<16x1xi32>
      %swap3A_339 = arith.constant 0 : index
      %swap3A_340 = arith.constant 0 : index
      %swap3A_341 = vector.load %arg9[%swap3A_339, %swap3A_340] : memref<16x1xf32, #tpu.memory_space<vmem>>, vector<16x1xf32>
      tpu.vector_store %arg9[%swap3A_339, %swap3A_340], %broadcast_in_dim3A_326 {strides = array<i32>} : memref<16x1xf32, #tpu.memory_space<vmem>>, vector<16x1xf32>,
      %swap3A_342 = arith.constant 0 : index
      %swap3A_343 = arith.constant 0 : index
      %swap3A_344 = vector.load %arg10[%swap3A_342, %swap3A_343] : memref<16x1xi32, #tpu.memory_space<vmem>>, vector<16x1xi32>
      tpu.vector_store %arg10[%swap3A_342, %swap3A_343], %add3A_338 {strides = array<i32>} : memref<16x1xi32, #tpu.memory_space<vmem>>, vector<16x1xi32>,
    } else {
    }
    %rem3A = arith.constant 3 : i32
    %rem3A_8 = arith.remsi %arg0, %rem3A : i32
    %mul3A = arith.constant 30976 : i32
    %mul3A_9 = arith.muli %arg0, %mul3A : i32
    %add3A = arith.constant 32768 : i32
    %add3A_10 = arith.addi %add3A, %mul3A_9 : i32
    %dma_wait3A = tpu.memref_slice %arg8[%rem3A_8] : memref<3x!tpu.dma_semaphore, #tpu.memory_space<semaphore_mem>> -> memref<1x!tpu.dma_semaphore, #tpu.memory_space<semaphore_mem>>
    %dma_wait3A_11 = tpu.memref_squeeze %dma_wait3A : memref<1x!tpu.dma_semaphore, #tpu.memory_space<semaphore_mem>> -> memref<!tpu.dma_semaphore, #tpu.memory_space<semaphore_mem>>
    %dma_wait3A_12 = arith.constant 0 : i32
    %dma_wait3A_13 = arith.constant 0 : i32
    %dma_wait3A_14 = tpu.memref_slice %arg7[%rem3A_8, %dma_wait3A_12, %dma_wait3A_13] : memref<3x64x30976xf32, #tpu.memory_space<vmem>> -> memref<1x64x30976xf32, #tpu.memory_space<vmem>>
    %dma_wait3A_15 = tpu.memref_squeeze %dma_wait3A_14 : memref<1x64x30976xf32, #tpu.memory_space<vmem>> -> memref<64x30976xf32, #tpu.memory_space<vmem>>
    %dma_wait3A_16 = arith.constant 0 : i32
    %dma_wait3A_17 = tpu.memref_slice %arg4[%dma_wait3A_16, %add3A_10] : memref<64x1000000xf32, #tpu.memory_space<any>> -> memref<64x30976xf32, #tpu.memory_space<any>>
    tpu.wait_dma2 semaphore(%dma_wait3A_11 : memref<!tpu.dma_semaphore, #tpu.memory_space<semaphore_mem>>) src(%dma_wait3A_17 : memref<64x30976xf32, #tpu.memory_space<any>>) dst(%dma_wait3A_15 : memref<64x30976xf32, #tpu.memory_space<vmem>>)
    %get3A_18 = arith.index_cast %rem3A_8 : i32 to index
    %get3A_19 = arith.constant 0 : index
    %get3A_20 = arith.constant 0 : index
    %get3A_21 = vector.load %arg7[%get3A_18, %get3A_19, %get3A_20] : memref<3x64x30976xf32, #tpu.memory_space<vmem>>, vector<1x64x30976xf32>
    %get3A_22 = vector.shape_cast %get3A_21 : vector<1x64x30976xf32> to vector<64x30976xf32>
    %slice3A = vector.extract_strided_slice %get3A_22 {offsets = [0, 0], sizes = [64, 7744], strides = [1, 1]} : vector<64x30976xf32> to vector<64x7744xf32>
    %convert_element_type3A_23 = arith.truncf %slice3A : vector<64x7744xf32> to vector<64x7744xbf16>
    %convert_element_type3A_24 = arith.extf %convert_element_type3A_23 : vector<64x7744xbf16> to vector<64x7744xf32>
    %sub3A = arith.subf %slice3A, %convert_element_type3A_24 : vector<64x7744xf32>
    %mul3A_25 = arith.mulf %slice3A, %slice3A : vector<64x7744xf32>
    %convert_element_type3A_26 = arith.truncf %mul3A_25 : vector<64x7744xf32> to vector<64x7744xbf16>
    %convert_element_type3A_27 = arith.extf %convert_element_type3A_26 : vector<64x7744xbf16> to vector<64x7744xf32>
    %sub3A_28 = arith.subf %mul3A_25, %convert_element_type3A_27 : vector<64x7744xf32>
    %dot_general3A = arith.constant dense<0.000000e+00> : vector<16x7744xf32>
    %dot_general3A_29 = tpu.matmul %get3A_1, %convert_element_type3A_24, %dot_general3A {dimension_numbers = #tpu.dot_dimension_numbers<[1], [0], [0], [1], [0, 0, 1, 1], [], []>, transpose_lhs_hint = false} : vector<16x64xf32>, vector<64x7744xf32>, vector<16x7744xf32> -> vector<16x7744xf32>
    %dot_general3A_30 = arith.constant dense<0.000000e+00> : vector<16x7744xf32>
    %dot_general3A_31 = tpu.matmul %get3A_1, %sub3A, %dot_general3A_30 {dimension_numbers = #tpu.dot_dimension_numbers<[1], [0], [0], [1], [0, 0, 1, 1], [], []>, transpose_lhs_hint = false} : vector<16x64xf32>, vector<64x7744xf32>, vector<16x7744xf32> -> vector<16x7744xf32>
    %add3A_32 = arith.addf %dot_general3A_29, %dot_general3A_31 : vector<16x7744xf32>
    %dot_general3A_33 = arith.constant dense<0.000000e+00> : vector<16x7744xf32>
    %dot_general3A_34 = tpu.matmul %get3A_4, %convert_element_type3A_24, %dot_general3A_33 {dimension_numbers = #tpu.dot_dimension_numbers<[1], [0], [0], [1], [0, 0, 1, 1], [], []>, transpose_lhs_hint = false} : vector<16x64xf32>, vector<64x7744xf32>, vector<16x7744xf32> -> vector<16x7744xf32>
    %dot_general3A_35 = arith.constant dense<0.000000e+00> : vector<16x7744xf32>
    %dot_general3A_36 = tpu.matmul %broadcast_in_dim3A_5, %convert_element_type3A_27, %dot_general3A_35 {dimension_numbers = #tpu.dot_dimension_numbers<[1], [0], [0], [1], [0, 0, 1, 1], [], []>, transpose_lhs_hint = false} : vector<16x64xf32>, vector<64x7744xf32>, vector<16x7744xf32> -> vector<16x7744xf32>
    %dot_general3A_37 = arith.constant dense<0.000000e+00> : vector<16x7744xf32>
    %dot_general3A_38 = tpu.matmul %broadcast_in_dim3A_5, %sub3A_28, %dot_general3A_37 {dimension_numbers = #tpu.dot_dimension_numbers<[1], [0], [0], [1], [0, 0, 1, 1], [], []>, transpose_lhs_hint = false} : vector<16x64xf32>, vector<64x7744xf32>, vector<16x7744xf32> -> vector<16x7744xf32>
    %add3A_39 = arith.addf %dot_general3A_36, %dot_general3A_38 : vector<16x7744xf32>
    %add3A_40 = arith.addf %dot_general3A_34, %add3A_39 : vector<16x7744xf32>
    %add3A_41 = arith.addf %add3A_32, %add3A_40 : vector<16x7744xf32>
    %mul3A_42 = arith.constant 30976 : i32
    %mul3A_43 = arith.muli %arg0, %mul3A_42 : i32
    %add3A_44 = arith.constant 32768 : i32
    %add3A_45 = arith.addi %add3A_44, %mul3A_43 : i32
    %add3A_46 = arith.constant 0 : i32
    %add3A_47 = arith.addi %add3A_45, %add3A_46 : i32
    %reduce_min3A = arith.constant dense<0x7F800000> : vector<16xf32>
    %reduce_min3A_48 = vector.multi_reduction <minimumf>, %add3A_41, %reduce_min3A [1] : vector<16x7744xf32> to vector<16xf32>
    %broadcast_in_dim3A_49 = vector.shape_cast %reduce_min3A_48 : vector<16xf32> to vector<16x1xf32>
    %iota3A = tpu.iota {dimensions = array<i32: 1>} : vector<16x7744xi32>
    %eq3A_50 = vector.broadcast %broadcast_in_dim3A_49 : vector<16x1xf32> to vector<16x7744xf32>
    %eq3A_51 = arith.cmpf oeq, %add3A_41, %eq3A_50 : vector<16x7744xf32>
    %jit3A = arith.constant 1000000 : i32
    %broadcast_in_dim3A_52 = vector.broadcast %jit3A : i32 to vector<16x7744xi32>
    %select_n3A = arith.select %eq3A_51, %iota3A, %broadcast_in_dim3A_52 : vector<16x7744xi1>, vector<16x7744xi32>
    %reduce_min3A_53 = arith.constant dense<2147483647> : vector<16xi32>
    %reduce_min3A_54 = vector.multi_reduction <minsi>, %select_n3A, %reduce_min3A_53 [1] : vector<16x7744xi32> to vector<16xi32>
    %broadcast_in_dim3A_55 = vector.shape_cast %reduce_min3A_54 : vector<16xi32> to vector<16x1xi32>
    %add3A_56 = vector.broadcast %add3A_47 : i32 to vector<16x1xi32>
    %add3A_57 = arith.addi %add3A_56, %broadcast_in_dim3A_55 : vector<16x1xi32>
    %get3A_58 = arith.constant 0 : index
    %get3A_59 = arith.constant 0 : index
    %get3A_60 = vector.load %arg9[%get3A_58, %get3A_59] : memref<16x1xf32, #tpu.memory_space<vmem>>, vector<16x1xf32>
    %get3A_61 = arith.constant 0 : index
    %get3A_62 = arith.constant 0 : index
    %get3A_63 = vector.load %arg10[%get3A_61, %get3A_62] : memref<16x1xi32, #tpu.memory_space<vmem>>, vector<16x1xi32>
    %lt3A = arith.cmpf olt, %broadcast_in_dim3A_49, %get3A_60 : vector<16x1xf32>
    %eq3A_64 = arith.cmpf oeq, %broadcast_in_dim3A_49, %get3A_60 : vector<16x1xf32>
    %lt3A_65 = arith.cmpi slt, %add3A_57, %get3A_63 : vector<16x1xi32>
    %and3A = arith.andi %eq3A_64, %lt3A_65 : vector<16x1xi1>
    %or3A = arith.ori %lt3A, %and3A : vector<16x1xi1>
    %select_n3A_66 = arith.select %or3A, %broadcast_in_dim3A_49, %get3A_60 : vector<16x1xi1>, vector<16x1xf32>
    %swap3A = arith.constant 0 : index
    %swap3A_67 = arith.constant 0 : index
    %swap3A_68 = vector.load %arg9[%swap3A, %swap3A_67] : memref<16x1xf32, #tpu.memory_space<vmem>>, vector<16x1xf32>
    tpu.vector_store %arg9[%swap3A, %swap3A_67], %select_n3A_66 {strides = array<i32>} : memref<16x1xf32, #tpu.memory_space<vmem>>, vector<16x1xf32>,
    %select_n3A_69 = arith.select %or3A, %add3A_57, %get3A_63 : vector<16x1xi1>, vector<16x1xi32>
    %swap3A_70 = arith.constant 0 : index
    %swap3A_71 = arith.constant 0 : index
    %swap3A_72 = vector.load %arg10[%swap3A_70, %swap3A_71] : memref<16x1xi32, #tpu.memory_space<vmem>>, vector<16x1xi32>
    tpu.vector_store %arg10[%swap3A_70, %swap3A_71], %select_n3A_69 {strides = array<i32>} : memref<16x1xi32, #tpu.memory_space<vmem>>, vector<16x1xi32>,
    %slice3A_73 = vector.extract_strided_slice %get3A_22 {offsets = [0, 7744], sizes = [64, 7744], strides = [1, 1]} : vector<64x30976xf32> to vector<64x7744xf32>
    %convert_element_type3A_74 = arith.truncf %slice3A_73 : vector<64x7744xf32> to vector<64x7744xbf16>
    %convert_element_type3A_75 = arith.extf %convert_element_type3A_74 : vector<64x7744xbf16> to vector<64x7744xf32>
    %sub3A_76 = arith.subf %slice3A_73, %convert_element_type3A_75 : vector<64x7744xf32>
    %mul3A_77 = arith.mulf %slice3A_73, %slice3A_73 : vector<64x7744xf32>
    %convert_element_type3A_78 = arith.truncf %mul3A_77 : vector<64x7744xf32> to vector<64x7744xbf16>
    %convert_element_type3A_79 = arith.extf %convert_element_type3A_78 : vector<64x7744xbf16> to vector<64x7744xf32>
    %sub3A_80 = arith.subf %mul3A_77, %convert_element_type3A_79 : vector<64x7744xf32>
    %dot_general3A_81 = arith.constant dense<0.000000e+00> : vector<16x7744xf32>
    %dot_general3A_82 = tpu.matmul %get3A_1, %convert_element_type3A_75, %dot_general3A_81 {dimension_numbers = #tpu.dot_dimension_numbers<[1], [0], [0], [1], [0, 0, 1, 1], [], []>, transpose_lhs_hint = false} : vector<16x64xf32>, vector<64x7744xf32>, vector<16x7744xf32> -> vector<16x7744xf32>
    %dot_general3A_83 = arith.constant dense<0.000000e+00> : vector<16x7744xf32>
    %dot_general3A_84 = tpu.matmul %get3A_1, %sub3A_76, %dot_general3A_83 {dimension_numbers = #tpu.dot_dimension_numbers<[1], [0], [0], [1], [0, 0, 1, 1], [], []>, transpose_lhs_hint = false} : vector<16x64xf32>, vector<64x7744xf32>, vector<16x7744xf32> -> vector<16x7744xf32>
    %add3A_85 = arith.addf %dot_general3A_82, %dot_general3A_84 : vector<16x7744xf32>
    %dot_general3A_86 = arith.constant dense<0.000000e+00> : vector<16x7744xf32>
    %dot_general3A_87 = tpu.matmul %get3A_4, %convert_element_type3A_75, %dot_general3A_86 {dimension_numbers = #tpu.dot_dimension_numbers<[1], [0], [0], [1], [0, 0, 1, 1], [], []>, transpose_lhs_hint = false} : vector<16x64xf32>, vector<64x7744xf32>, vector<16x7744xf32> -> vector<16x7744xf32>
    %dot_general3A_88 = arith.constant dense<0.000000e+00> : vector<16x7744xf32>
    %dot_general3A_89 = tpu.matmul %broadcast_in_dim3A_5, %convert_element_type3A_79, %dot_general3A_88 {dimension_numbers = #tpu.dot_dimension_numbers<[1], [0], [0], [1], [0, 0, 1, 1], [], []>, transpose_lhs_hint = false} : vector<16x64xf32>, vector<64x7744xf32>, vector<16x7744xf32> -> vector<16x7744xf32>
    %dot_general3A_90 = arith.constant dense<0.000000e+00> : vector<16x7744xf32>
    %dot_general3A_91 = tpu.matmul %broadcast_in_dim3A_5, %sub3A_80, %dot_general3A_90 {dimension_numbers = #tpu.dot_dimension_numbers<[1], [0], [0], [1], [0, 0, 1, 1], [], []>, transpose_lhs_hint = false} : vector<16x64xf32>, vector<64x7744xf32>, vector<16x7744xf32> -> vector<16x7744xf32>
    %add3A_92 = arith.addf %dot_general3A_89, %dot_general3A_91 : vector<16x7744xf32>
    %add3A_93 = arith.addf %dot_general3A_87, %add3A_92 : vector<16x7744xf32>
    %add3A_94 = arith.addf %add3A_85, %add3A_93 : vector<16x7744xf32>
    %mul3A_95 = arith.constant 30976 : i32
    %mul3A_96 = arith.muli %arg0, %mul3A_95 : i32
    %add3A_97 = arith.constant 32768 : i32
    %add3A_98 = arith.addi %add3A_97, %mul3A_96 : i32
    %add3A_99 = arith.constant 7744 : i32
    %add3A_100 = arith.addi %add3A_98, %add3A_99 : i32
    %reduce_min3A_101 = arith.constant dense<0x7F800000> : vector<16xf32>
    %reduce_min3A_102 = vector.multi_reduction <minimumf>, %add3A_94, %reduce_min3A_101 [1] : vector<16x7744xf32> to vector<16xf32>
    %broadcast_in_dim3A_103 = vector.shape_cast %reduce_min3A_102 : vector<16xf32> to vector<16x1xf32>
    %iota3A_104 = tpu.iota {dimensions = array<i32: 1>} : vector<16x7744xi32>
    %eq3A_105 = vector.broadcast %broadcast_in_dim3A_103 : vector<16x1xf32> to vector<16x7744xf32>
    %eq3A_106 = arith.cmpf oeq, %add3A_94, %eq3A_105 : vector<16x7744xf32>
    %jit3A_107 = arith.constant 1000000 : i32
    %broadcast_in_dim3A_108 = vector.broadcast %jit3A_107 : i32 to vector<16x7744xi32>
    %select_n3A_109 = arith.select %eq3A_106, %iota3A_104, %broadcast_in_dim3A_108 : vector<16x7744xi1>, vector<16x7744xi32>
    %reduce_min3A_110 = arith.constant dense<2147483647> : vector<16xi32>
    %reduce_min3A_111 = vector.multi_reduction <minsi>, %select_n3A_109, %reduce_min3A_110 [1] : vector<16x7744xi32> to vector<16xi32>
    %broadcast_in_dim3A_112 = vector.shape_cast %reduce_min3A_111 : vector<16xi32> to vector<16x1xi32>
    %add3A_113 = vector.broadcast %add3A_100 : i32 to vector<16x1xi32>
    %add3A_114 = arith.addi %add3A_113, %broadcast_in_dim3A_112 : vector<16x1xi32>
    %get3A_115 = arith.constant 0 : index
    %get3A_116 = arith.constant 0 : index
    %get3A_117 = vector.load %arg9[%get3A_115, %get3A_116] : memref<16x1xf32, #tpu.memory_space<vmem>>, vector<16x1xf32>
    %get3A_118 = arith.constant 0 : index
    %get3A_119 = arith.constant 0 : index
    %get3A_120 = vector.load %arg10[%get3A_118, %get3A_119] : memref<16x1xi32, #tpu.memory_space<vmem>>, vector<16x1xi32>
    %lt3A_121 = arith.cmpf olt, %broadcast_in_dim3A_103, %get3A_117 : vector<16x1xf32>
    %eq3A_122 = arith.cmpf oeq, %broadcast_in_dim3A_103, %get3A_117 : vector<16x1xf32>
    %lt3A_123 = arith.cmpi slt, %add3A_114, %get3A_120 : vector<16x1xi32>
    %and3A_124 = arith.andi %eq3A_122, %lt3A_123 : vector<16x1xi1>
    %or3A_125 = arith.ori %lt3A_121, %and3A_124 : vector<16x1xi1>
    %select_n3A_126 = arith.select %or3A_125, %broadcast_in_dim3A_103, %get3A_117 : vector<16x1xi1>, vector<16x1xf32>
    %swap3A_127 = arith.constant 0 : index
    %swap3A_128 = arith.constant 0 : index
    %swap3A_129 = vector.load %arg9[%swap3A_127, %swap3A_128] : memref<16x1xf32, #tpu.memory_space<vmem>>, vector<16x1xf32>
    tpu.vector_store %arg9[%swap3A_127, %swap3A_128], %select_n3A_126 {strides = array<i32>} : memref<16x1xf32, #tpu.memory_space<vmem>>, vector<16x1xf32>,
    %select_n3A_130 = arith.select %or3A_125, %add3A_114, %get3A_120 : vector<16x1xi1>, vector<16x1xi32>
    %swap3A_131 = arith.constant 0 : index
    %swap3A_132 = arith.constant 0 : index
    %swap3A_133 = vector.load %arg10[%swap3A_131, %swap3A_132] : memref<16x1xi32, #tpu.memory_space<vmem>>, vector<16x1xi32>
    tpu.vector_store %arg10[%swap3A_131, %swap3A_132], %select_n3A_130 {strides = array<i32>} : memref<16x1xi32, #tpu.memory_space<vmem>>, vector<16x1xi32>,
    %slice3A_134 = vector.extract_strided_slice %get3A_22 {offsets = [0, 15488], sizes = [64, 7744], strides = [1, 1]} : vector<64x30976xf32> to vector<64x7744xf32>
    %convert_element_type3A_135 = arith.truncf %slice3A_134 : vector<64x7744xf32> to vector<64x7744xbf16>
    %convert_element_type3A_136 = arith.extf %convert_element_type3A_135 : vector<64x7744xbf16> to vector<64x7744xf32>
    %sub3A_137 = arith.subf %slice3A_134, %convert_element_type3A_136 : vector<64x7744xf32>
    %mul3A_138 = arith.mulf %slice3A_134, %slice3A_134 : vector<64x7744xf32>
    %convert_element_type3A_139 = arith.truncf %mul3A_138 : vector<64x7744xf32> to vector<64x7744xbf16>
    %convert_element_type3A_140 = arith.extf %convert_element_type3A_139 : vector<64x7744xbf16> to vector<64x7744xf32>
    %sub3A_141 = arith.subf %mul3A_138, %convert_element_type3A_140 : vector<64x7744xf32>
    %dot_general3A_142 = arith.constant dense<0.000000e+00> : vector<16x7744xf32>
    %dot_general3A_143 = tpu.matmul %get3A_1, %convert_element_type3A_136, %dot_general3A_142 {dimension_numbers = #tpu.dot_dimension_numbers<[1], [0], [0], [1], [0, 0, 1, 1], [], []>, transpose_lhs_hint = false} : vector<16x64xf32>, vector<64x7744xf32>, vector<16x7744xf32> -> vector<16x7744xf32>
    %dot_general3A_144 = arith.constant dense<0.000000e+00> : vector<16x7744xf32>
    %dot_general3A_145 = tpu.matmul %get3A_1, %sub3A_137, %dot_general3A_144 {dimension_numbers = #tpu.dot_dimension_numbers<[1], [0], [0], [1], [0, 0, 1, 1], [], []>, transpose_lhs_hint = false} : vector<16x64xf32>, vector<64x7744xf32>, vector<16x7744xf32> -> vector<16x7744xf32>
    %add3A_146 = arith.addf %dot_general3A_143, %dot_general3A_145 : vector<16x7744xf32>
    %dot_general3A_147 = arith.constant dense<0.000000e+00> : vector<16x7744xf32>
    %dot_general3A_148 = tpu.matmul %get3A_4, %convert_element_type3A_136, %dot_general3A_147 {dimension_numbers = #tpu.dot_dimension_numbers<[1], [0], [0], [1], [0, 0, 1, 1], [], []>, transpose_lhs_hint = false} : vector<16x64xf32>, vector<64x7744xf32>, vector<16x7744xf32> -> vector<16x7744xf32>
    %dot_general3A_149 = arith.constant dense<0.000000e+00> : vector<16x7744xf32>
    %dot_general3A_150 = tpu.matmul %broadcast_in_dim3A_5, %convert_element_type3A_140, %dot_general3A_149 {dimension_numbers = #tpu.dot_dimension_numbers<[1], [0], [0], [1], [0, 0, 1, 1], [], []>, transpose_lhs_hint = false} : vector<16x64xf32>, vector<64x7744xf32>, vector<16x7744xf32> -> vector<16x7744xf32>
    %dot_general3A_151 = arith.constant dense<0.000000e+00> : vector<16x7744xf32>
    %dot_general3A_152 = tpu.matmul %broadcast_in_dim3A_5, %sub3A_141, %dot_general3A_151 {dimension_numbers = #tpu.dot_dimension_numbers<[1], [0], [0], [1], [0, 0, 1, 1], [], []>, transpose_lhs_hint = false} : vector<16x64xf32>, vector<64x7744xf32>, vector<16x7744xf32> -> vector<16x7744xf32>
    %add3A_153 = arith.addf %dot_general3A_150, %dot_general3A_152 : vector<16x7744xf32>
    %add3A_154 = arith.addf %dot_general3A_148, %add3A_153 : vector<16x7744xf32>
    %add3A_155 = arith.addf %add3A_146, %add3A_154 : vector<16x7744xf32>
    %mul3A_156 = arith.constant 30976 : i32
    %mul3A_157 = arith.muli %arg0, %mul3A_156 : i32
    %add3A_158 = arith.constant 32768 : i32
    %add3A_159 = arith.addi %add3A_158, %mul3A_157 : i32
    %add3A_160 = arith.constant 15488 : i32
    %add3A_161 = arith.addi %add3A_159, %add3A_160 : i32
    %reduce_min3A_162 = arith.constant dense<0x7F800000> : vector<16xf32>
    %reduce_min3A_163 = vector.multi_reduction <minimumf>, %add3A_155, %reduce_min3A_162 [1] : vector<16x7744xf32> to vector<16xf32>
    %broadcast_in_dim3A_164 = vector.shape_cast %reduce_min3A_163 : vector<16xf32> to vector<16x1xf32>
    %iota3A_165 = tpu.iota {dimensions = array<i32: 1>} : vector<16x7744xi32>
    %eq3A_166 = vector.broadcast %broadcast_in_dim3A_164 : vector<16x1xf32> to vector<16x7744xf32>
    %eq3A_167 = arith.cmpf oeq, %add3A_155, %eq3A_166 : vector<16x7744xf32>
    %jit3A_168 = arith.constant 1000000 : i32
    %broadcast_in_dim3A_169 = vector.broadcast %jit3A_168 : i32 to vector<16x7744xi32>
    %select_n3A_170 = arith.select %eq3A_167, %iota3A_165, %broadcast_in_dim3A_169 : vector<16x7744xi1>, vector<16x7744xi32>
    %reduce_min3A_171 = arith.constant dense<2147483647> : vector<16xi32>
    %reduce_min3A_172 = vector.multi_reduction <minsi>, %select_n3A_170, %reduce_min3A_171 [1] : vector<16x7744xi32> to vector<16xi32>
    %broadcast_in_dim3A_173 = vector.shape_cast %reduce_min3A_172 : vector<16xi32> to vector<16x1xi32>
    %add3A_174 = vector.broadcast %add3A_161 : i32 to vector<16x1xi32>
    %add3A_175 = arith.addi %add3A_174, %broadcast_in_dim3A_173 : vector<16x1xi32>
    %get3A_176 = arith.constant 0 : index
    %get3A_177 = arith.constant 0 : index
    %get3A_178 = vector.load %arg9[%get3A_176, %get3A_177] : memref<16x1xf32, #tpu.memory_space<vmem>>, vector<16x1xf32>
    %get3A_179 = arith.constant 0 : index
    %get3A_180 = arith.constant 0 : index
    %get3A_181 = vector.load %arg10[%get3A_179, %get3A_180] : memref<16x1xi32, #tpu.memory_space<vmem>>, vector<16x1xi32>
    %lt3A_182 = arith.cmpf olt, %broadcast_in_dim3A_164, %get3A_178 : vector<16x1xf32>
    %eq3A_183 = arith.cmpf oeq, %broadcast_in_dim3A_164, %get3A_178 : vector<16x1xf32>
    %lt3A_184 = arith.cmpi slt, %add3A_175, %get3A_181 : vector<16x1xi32>
    %and3A_185 = arith.andi %eq3A_183, %lt3A_184 : vector<16x1xi1>
    %or3A_186 = arith.ori %lt3A_182, %and3A_185 : vector<16x1xi1>
    %select_n3A_187 = arith.select %or3A_186, %broadcast_in_dim3A_164, %get3A_178 : vector<16x1xi1>, vector<16x1xf32>
    %swap3A_188 = arith.constant 0 : index
    %swap3A_189 = arith.constant 0 : index
    %swap3A_190 = vector.load %arg9[%swap3A_188, %swap3A_189] : memref<16x1xf32, #tpu.memory_space<vmem>>, vector<16x1xf32>
    tpu.vector_store %arg9[%swap3A_188, %swap3A_189], %select_n3A_187 {strides = array<i32>} : memref<16x1xf32, #tpu.memory_space<vmem>>, vector<16x1xf32>,
    %select_n3A_191 = arith.select %or3A_186, %add3A_175, %get3A_181 : vector<16x1xi1>, vector<16x1xi32>
    %swap3A_192 = arith.constant 0 : index
    %swap3A_193 = arith.constant 0 : index
    %swap3A_194 = vector.load %arg10[%swap3A_192, %swap3A_193] : memref<16x1xi32, #tpu.memory_space<vmem>>, vector<16x1xi32>
    tpu.vector_store %arg10[%swap3A_192, %swap3A_193], %select_n3A_191 {strides = array<i32>} : memref<16x1xi32, #tpu.memory_space<vmem>>, vector<16x1xi32>,
    %slice3A_195 = vector.extract_strided_slice %get3A_22 {offsets = [0, 23232], sizes = [64, 7744], strides = [1, 1]} : vector<64x30976xf32> to vector<64x7744xf32>
    %convert_element_type3A_196 = arith.truncf %slice3A_195 : vector<64x7744xf32> to vector<64x7744xbf16>
    %convert_element_type3A_197 = arith.extf %convert_element_type3A_196 : vector<64x7744xbf16> to vector<64x7744xf32>
    %sub3A_198 = arith.subf %slice3A_195, %convert_element_type3A_197 : vector<64x7744xf32>
    %mul3A_199 = arith.mulf %slice3A_195, %slice3A_195 : vector<64x7744xf32>
    %convert_element_type3A_200 = arith.truncf %mul3A_199 : vector<64x7744xf32> to vector<64x7744xbf16>
    %convert_element_type3A_201 = arith.extf %convert_element_type3A_200 : vector<64x7744xbf16> to vector<64x7744xf32>
    %sub3A_202 = arith.subf %mul3A_199, %convert_element_type3A_201 : vector<64x7744xf32>
    %dot_general3A_203 = arith.constant dense<0.000000e+00> : vector<16x7744xf32>
    %dot_general3A_204 = tpu.matmul %get3A_1, %convert_element_type3A_197, %dot_general3A_203 {dimension_numbers = #tpu.dot_dimension_numbers<[1], [0], [0], [1], [0, 0, 1, 1], [], []>, transpose_lhs_hint = false} : vector<16x64xf32>, vector<64x7744xf32>, vector<16x7744xf32> -> vector<16x7744xf32>
    %dot_general3A_205 = arith.constant dense<0.000000e+00> : vector<16x7744xf32>
    %dot_general3A_206 = tpu.matmul %get3A_1, %sub3A_198, %dot_general3A_205 {dimension_numbers = #tpu.dot_dimension_numbers<[1], [0], [0], [1], [0, 0, 1, 1], [], []>, transpose_lhs_hint = false} : vector<16x64xf32>, vector<64x7744xf32>, vector<16x7744xf32> -> vector<16x7744xf32>
    %add3A_207 = arith.addf %dot_general3A_204, %dot_general3A_206 : vector<16x7744xf32>
    %dot_general3A_208 = arith.constant dense<0.000000e+00> : vector<16x7744xf32>
    %dot_general3A_209 = tpu.matmul %get3A_4, %convert_element_type3A_197, %dot_general3A_208 {dimension_numbers = #tpu.dot_dimension_numbers<[1], [0], [0], [1], [0, 0, 1, 1], [], []>, transpose_lhs_hint = false} : vector<16x64xf32>, vector<64x7744xf32>, vector<16x7744xf32> -> vector<16x7744xf32>
    %dot_general3A_210 = arith.constant dense<0.000000e+00> : vector<16x7744xf32>
    %dot_general3A_211 = tpu.matmul %broadcast_in_dim3A_5, %convert_element_type3A_201, %dot_general3A_210 {dimension_numbers = #tpu.dot_dimension_numbers<[1], [0], [0], [1], [0, 0, 1, 1], [], []>, transpose_lhs_hint = false} : vector<16x64xf32>, vector<64x7744xf32>, vector<16x7744xf32> -> vector<16x7744xf32>
    %dot_general3A_212 = arith.constant dense<0.000000e+00> : vector<16x7744xf32>
    %dot_general3A_213 = tpu.matmul %broadcast_in_dim3A_5, %sub3A_202, %dot_general3A_212 {dimension_numbers = #tpu.dot_dimension_numbers<[1], [0], [0], [1], [0, 0, 1, 1], [], []>, transpose_lhs_hint = false} : vector<16x64xf32>, vector<64x7744xf32>, vector<16x7744xf32> -> vector<16x7744xf32>
    %add3A_214 = arith.addf %dot_general3A_211, %dot_general3A_213 : vector<16x7744xf32>
    %add3A_215 = arith.addf %dot_general3A_209, %add3A_214 : vector<16x7744xf32>
    %add3A_216 = arith.addf %add3A_207, %add3A_215 : vector<16x7744xf32>
    %mul3A_217 = arith.constant 30976 : i32
    %mul3A_218 = arith.muli %arg0, %mul3A_217 : i32
    %add3A_219 = arith.constant 32768 : i32
    %add3A_220 = arith.addi %add3A_219, %mul3A_218 : i32
    %add3A_221 = arith.constant 23232 : i32
    %add3A_222 = arith.addi %add3A_220, %add3A_221 : i32
    %reduce_min3A_223 = arith.constant dense<0x7F800000> : vector<16xf32>
    %reduce_min3A_224 = vector.multi_reduction <minimumf>, %add3A_216, %reduce_min3A_223 [1] : vector<16x7744xf32> to vector<16xf32>
    %broadcast_in_dim3A_225 = vector.shape_cast %reduce_min3A_224 : vector<16xf32> to vector<16x1xf32>
    %iota3A_226 = tpu.iota {dimensions = array<i32: 1>} : vector<16x7744xi32>
    %eq3A_227 = vector.broadcast %broadcast_in_dim3A_225 : vector<16x1xf32> to vector<16x7744xf32>
    %eq3A_228 = arith.cmpf oeq, %add3A_216, %eq3A_227 : vector<16x7744xf32>
    %jit3A_229 = arith.constant 1000000 : i32
    %broadcast_in_dim3A_230 = vector.broadcast %jit3A_229 : i32 to vector<16x7744xi32>
    %select_n3A_231 = arith.select %eq3A_228, %iota3A_226, %broadcast_in_dim3A_230 : vector<16x7744xi1>, vector<16x7744xi32>
    %reduce_min3A_232 = arith.constant dense<2147483647> : vector<16xi32>
    %reduce_min3A_233 = vector.multi_reduction <minsi>, %select_n3A_231, %reduce_min3A_232 [1] : vector<16x7744xi32> to vector<16xi32>
    %broadcast_in_dim3A_234 = vector.shape_cast %reduce_min3A_233 : vector<16xi32> to vector<16x1xi32>
    %add3A_235 = vector.broadcast %add3A_222 : i32 to vector<16x1xi32>
    %add3A_236 = arith.addi %add3A_235, %broadcast_in_dim3A_234 : vector<16x1xi32>
    %get3A_237 = arith.constant 0 : index
    %get3A_238 = arith.constant 0 : index
    %get3A_239 = vector.load %arg9[%get3A_237, %get3A_238] : memref<16x1xf32, #tpu.memory_space<vmem>>, vector<16x1xf32>
    %get3A_240 = arith.constant 0 : index
    %get3A_241 = arith.constant 0 : index
    %get3A_242 = vector.load %arg10[%get3A_240, %get3A_241] : memref<16x1xi32, #tpu.memory_space<vmem>>, vector<16x1xi32>
    %lt3A_243 = arith.cmpf olt, %broadcast_in_dim3A_225, %get3A_239 : vector<16x1xf32>
    %eq3A_244 = arith.cmpf oeq, %broadcast_in_dim3A_225, %get3A_239 : vector<16x1xf32>
    %lt3A_245 = arith.cmpi slt, %add3A_236, %get3A_242 : vector<16x1xi32>
    %and3A_246 = arith.andi %eq3A_244, %lt3A_245 : vector<16x1xi1>
    %or3A_247 = arith.ori %lt3A_243, %and3A_246 : vector<16x1xi1>
    %select_n3A_248 = arith.select %or3A_247, %broadcast_in_dim3A_225, %get3A_239 : vector<16x1xi1>, vector<16x1xf32>
    %swap3A_249 = arith.constant 0 : index
    %swap3A_250 = arith.constant 0 : index
    %swap3A_251 = vector.load %arg9[%swap3A_249, %swap3A_250] : memref<16x1xf32, #tpu.memory_space<vmem>>, vector<16x1xf32>
    tpu.vector_store %arg9[%swap3A_249, %swap3A_250], %select_n3A_248 {strides = array<i32>} : memref<16x1xf32, #tpu.memory_space<vmem>>, vector<16x1xf32>,
    %select_n3A_252 = arith.select %or3A_247, %add3A_236, %get3A_242 : vector<16x1xi1>, vector<16x1xi32>
    %swap3A_253 = arith.constant 0 : index
    %swap3A_254 = arith.constant 0 : index
    %swap3A_255 = vector.load %arg10[%swap3A_253, %swap3A_254] : memref<16x1xi32, #tpu.memory_space<vmem>>, vector<16x1xi32>
    tpu.vector_store %arg10[%swap3A_253, %swap3A_254], %select_n3A_252 {strides = array<i32>} : memref<16x1xi32, #tpu.memory_space<vmem>>, vector<16x1xi32>,
    %add3A_256 = arith.constant 3 : i32
    %add3A_257 = arith.addi %arg0, %add3A_256 : i32
    %lt3A_258 = arith.constant 31 : i32
    %lt3A_259 = arith.cmpi slt, %add3A_257, %lt3A_258 : i32
    %convert_element_type3A_260 = arith.extui %lt3A_259 : i1 to i32
    %cond3A_261 = arith.constant 0 : i32
    %cond3A_262 = arith.cmpi ne, %convert_element_type3A_260, %cond3A_261 : i32
    scf.if %cond3A_262 {
      %add3A_268 = arith.constant 3 : i32
      %add3A_269 = arith.addi %arg0, %add3A_268 : i32
      %mul3A_270 = arith.constant 30976 : i32
      %mul3A_271 = arith.muli %add3A_269, %mul3A_270 : i32
      %add3A_272 = arith.constant 32768 : i32
      %add3A_273 = arith.addi %add3A_272, %mul3A_271 : i32
      %dma_start3A = tpu.memref_slice %arg8[%rem3A_8] : memref<3x!tpu.dma_semaphore, #tpu.memory_space<semaphore_mem>> -> memref<1x!tpu.dma_semaphore, #tpu.memory_space<semaphore_mem>>
      %dma_start3A_274 = tpu.memref_squeeze %dma_start3A : memref<1x!tpu.dma_semaphore, #tpu.memory_space<semaphore_mem>> -> memref<!tpu.dma_semaphore, #tpu.memory_space<semaphore_mem>>
      %dma_start3A_275 = arith.constant 0 : i32
      %dma_start3A_276 = arith.constant 0 : i32
      %dma_start3A_277 = tpu.memref_slice %arg7[%rem3A_8, %dma_start3A_275, %dma_start3A_276] : memref<3x64x30976xf32, #tpu.memory_space<vmem>> -> memref<1x64x30976xf32, #tpu.memory_space<vmem>>
      %dma_start3A_278 = tpu.memref_squeeze %dma_start3A_277 : memref<1x64x30976xf32, #tpu.memory_space<vmem>> -> memref<64x30976xf32, #tpu.memory_space<vmem>>
      %dma_start3A_279 = arith.constant 0 : i32
      %dma_start3A_280 = tpu.memref_slice %arg4[%dma_start3A_279, %add3A_273] : memref<64x1000000xf32, #tpu.memory_space<any>> -> memref<64x30976xf32, #tpu.memory_space<any>>
      tpu.enqueue_dma source(%dma_start3A_280 : memref<64x30976xf32, #tpu.memory_space<any>>) target(%dma_start3A_278 : memref<64x30976xf32, #tpu.memory_space<vmem>>) target_semaphore(%dma_start3A_274 : memref<!tpu.dma_semaphore, #tpu.memory_space<semaphore_mem>>)
    } else {
    }
    %eq3A_263 = arith.constant 30 : i32
    %eq3A_264 = arith.cmpi eq, %arg0, %eq3A_263 : i32
    %convert_element_type3A_265 = arith.extui %eq3A_264 : i1 to i32
    %cond3A_266 = arith.constant 0 : i32
    %cond3A_267 = arith.cmpi ne, %convert_element_type3A_265, %cond3A_266 : i32
    scf.if %cond3A_267 {
      %get3A_268 = arith.constant 0 : index
      %get3A_269 = arith.constant 0 : index
      %get3A_270 = vector.load %arg9[%get3A_268, %get3A_269] : memref<16x1xf32, #tpu.memory_space<vmem>>, vector<16x1xf32>
      %swap3A_271 = arith.constant 0 : index
      %swap3A_272 = arith.constant 0 : index
      %swap3A_273 = vector.load %arg5[%swap3A_271, %swap3A_272] : memref<16x1xf32, #tpu.memory_space<vmem>>, vector<16x1xf32>
      tpu.vector_store %arg5[%swap3A_271, %swap3A_272], %get3A_270 {strides = array<i32>} : memref<16x1xf32, #tpu.memory_space<vmem>>, vector<16x1xf32>,
      %get3A_274 = arith.constant 0 : index
      %get3A_275 = arith.constant 0 : index
      %get3A_276 = vector.load %arg10[%get3A_274, %get3A_275] : memref<16x1xi32, #tpu.memory_space<vmem>>, vector<16x1xi32>
      %swap3A_277 = arith.constant 0 : index
      %swap3A_278 = arith.constant 0 : index
      %swap3A_279 = vector.load %arg6[%swap3A_277, %swap3A_278] : memref<16x1xi32, #tpu.memory_space<vmem>>, vector<16x1xi32>
      tpu.vector_store %arg6[%swap3A_277, %swap3A_278], %get3A_276 {strides = array<i32>} : memref<16x1xi32, #tpu.memory_space<vmem>>, vector<16x1xi32>,
    } else {
    }
    return
  }
  func.func @transform_0(%arg0: i32) -> (i32, i32) {
    %c0_i32 = arith.constant 0 : i32
    %c0_i32_0 = arith.constant 0 : i32
    %c0_i32_1 = arith.constant 0 : i32
    return %c0_i32, %c0_i32_0 : i32, i32
  }
  func.func @transform_1(%arg0: i32) -> (i32, i32) {
    %c0_i32 = arith.constant 0 : i32
    %c0_i32_0 = arith.constant 0 : i32
    %c0_i32_1 = arith.constant 0 : i32
    return %c0_i32, %c0_i32_0 : i32, i32
  }
  func.func @transform_2(%arg0: i32) -> (i32, i32) {
    %c0_i32 = arith.constant 0 : i32
    %c0_i32_0 = arith.constant 0 : i32
    %c0_i32_1 = arith.constant 0 : i32
    return %c0_i32, %c0_i32_0 : i32, i32
  }
  func.func @transform_4(%arg0: i32) -> (i32, i32) {
    %c0_i32 = arith.constant 0 : i32
    %c0_i32_0 = arith.constant 0 : i32
    %c0_i32_1 = arith.constant 0 : i32
    return %c0_i32, %c0_i32_0 : i32, i32
  }
  func.func @transform_5(%arg0: i32) -> (i32, i32) {
    %c0_i32 = arith.constant 0 : i32
    %c0_i32_0 = arith.constant 0 : i32
    %c0_i32_1 = arith.constant 0 : i32
    return %c0_i32, %c0_i32_0 : i32, i32
  }
}

</mosaic_0001>

<sc_bundles>
// kernel: kernel.4.cloned.1.call-start
scs
__scs_entry_jumppad:
0x0: {  	(pc) =	sbr.rel $0x88, $3  }
0x1: {  	(tag) =	ssettag $0x0;
	lr =	simm.s32 $0x1  }
0x2: {  	[smem:$0x3F9F] =	sst lr;
	_ =	strace $0xD0000000  }
0x3: {  	_ = 	snop  }
0x4: {  	_ = 	snop  }
0x5: {  	_ = 	snop  }
0x6: {  	_ = 	snop  }
0x7: {  	_ = 	snop  }
__scs_overlays_trampoline_lowered:
0x8: {  	[smem:$0x3FAE] =	sst s0  }
0x9: {  	[smem:$0x3FAF] =	sst s1  }
0xa: {  	[smem:$0x3FB0] =	sst s2  }
0xb: {  	[smem:$0x3FB1] =	sst s3  }
0xc: {  	[smem:$0x3FB2] =	sst s4  }
0xd: {  	[smem:$0x3FB3] =	sst s5  }
0xe: {  	[smem:$0x3FB4] =	sst s6  }
0xf: {  	[smem:$0x3FB5] =	sst s7  }
0x10: {  	[smem:$0x3FB6] =	sst s8  }
0x11: {  	[smem:$0x3FB7] =	sst s9;
	s0 =	simm.s32 @!p0 $0x0  }
0x12: {  	s1 =	sld [smem:$0x3F9D];
	s0 =	simm.s32 @p0 $0x1  }
0x13: {  	[smem:$0x3FB8] =	sst s0;
	s0 =	simm.s32 @!p1 $0x0  }
0x14: {  	s2 =	sld [smem:$0x3F9C];
	s0 =	simm.s32 @p1 $0x1  }
0x15: {  	[smem:$0x3FB9] =	sst s0;
	s0 =	simm.s32 @!p2 $0x0  }
0x16: {  	s3 =	sld [smem:$0x3FDB];
	s0 =	simm.s32 @p2 $0x1  }
0x17: {  	s4 =	simm.s32 $0x1BF5;
	[smem:$0x3FBB] =	sst s0  }
0x18: {  	s0 =	sld [smem:$0x3F9E];
	_ =	swait.ge [sflag:s4], $0x0  }
0x19: {  	s7 =	sld [smem:$0x3F9F]  }
0x1a: {  	s8 =	sadd.s32 $0xFFFFE003, lr  }
0x1b: {  	s9 =	sadd.s32 $0xFFFFFEF7, lr;
	s5 =	simm.s32 $0xFFFFFFFF;
	p2 =	slt.u32 s8, $0xFFFFF086  }
0x1c: {  	p1 =	slt.u32 s9, $0xF7A;
	s5 =	simm.s32 @!p2 $0x0  }
0x1d: {  	s5 =	simm.s32 @p1 $0x1;
	p0 =	seq.s32 s7, s2  }
0x1e: {  	s7 =	smul.u32 @!p0 $0xF7A, s2;
	p2 =	seq.s32 @!p0 s5, $0x0  }
0x1f: {  	s9 =	smul.u32 $0xF7A, s1;
	s8 =	simm.s32 @!p0 $0x1BF5;
	p2 =	por !p2, p0  }
0x20: {  	[sflag:s8] =	ssyncset.s32 @!p0 $0xFFFFF086;
	s6 =	sadd.s32 @!p0 s3, s7;
	s7 =	simm.s32 @!p0 $0x108  }
0x21: {  	s3 =	sadd.s32 s3, s9;
	s6 =	sadd.s32 @!p0 $0x88, s6;
	s7 =	simm.s32 @p2 $0x1082  }
0x22: {  	[simem:s7], [sflag:s8] =	dma.local @!p0 [hbm:s6], $0xF7A  }
0x23: {  	s9 =	sor.u32 $0xD0000000, s2;
	s6 =	simm.s32 $0x108;
	_ =	swait.ge @!p0 [sflag:s8], $0x0  }
0x24: {  	s3 =	sadd.s32 $0x88, s3;
	s6 =	simm.s32 @!p1 $0x1082;
	[sflag:s4] =	ssyncset.s32 $0xFFFFF086  }
0x25: {  	[simem:s6], [sflag:s4] =	dma.local [hbm:s3], $0xF7A  }
0x26: {  	[smem:$0x3F9F] =	sst s1;
	(tag) =	ssettag s2;
	_ =	strace s9  }
0x27: {  	s1 =	sld [smem:$0x3FAF]  }
0x28: {  	s2 =	sld [smem:$0x3FB0]  }
0x29: {  	s4 =	sld [smem:$0x3FB2]  }
0x2a: {  	p0 =	seq.s32 s5, $0x0;
	s5 =	sld [smem:$0x3FB3]  }
0x2b: {  	s6 =	sld [smem:$0x3FB4]  }
0x2c: {  	s7 =	sld [smem:$0x3FB5]  }
0x2d: {  	s3 =	simm.s32 $0x108;
	s8 =	sld [smem:$0x3FB6]  }
0x2e: {  	s3 =	simm.s32 @!p0 $0x1082;
	s9 =	sld [smem:$0x3FB7]  }
0x2f: {  	lr =	sadd.s32 s0, s3;
	s0 =	sld [smem:$0x3FAE]  }
0x30: {  	s3 =	sld [smem:$0x3FB1]  }
0x31: {  	[smem:$0x3FBA] =	sst s10  }
0x32: {  	s10 =	sld [smem:$0x3FB8];
	_ =	sdelay $0x3  }
0x33: {  	p0 =	seq.s32 s10, $0x1;
	s10 =	sld [smem:$0x3FBA];
	_ =	sdelay $0x3  }
0x34: {  	[smem:$0x3FBA] =	sst s10  }
0x35: {  	s10 =	sld [smem:$0x3FB9];
	_ =	sdelay $0x3  }
0x36: {  	p1 =	seq.s32 s10, $0x1;
	s10 =	sld [smem:$0x3FBA];
	_ =	sdelay $0x3  }
0x37: {  	[smem:$0x3FBA] =	sst s10  }
0x38: {  	s10 =	sld [smem:$0x3FBB]  }
0x39: {  	_ = 	snop;
	(pc) =	sbr.ind lr, $3  }
0x3a: {  	_ = 	snop  }
0x3b: {  	_ = 	snop  }
0x3c: {  	p2 =	seq.s32 s10, $0x1;
	s10 =	sld [smem:$0x3FBA]  }
0x3d: {  	_ =	shalt  }
0x3e: {  	_ =	shalt  }
0x3f: {  	_ =	shalt  }
0x40: {  	_ =	shalt  }
0x41: {  	_ =	shalt  }
0x42: {  	_ =	shalt  }
0x43: {  	_ =	shalt  }
0x44: {  	_ =	shalt  }
0x45: {  	_ =	shalt  }
0x46: {  	_ =	shalt  }
0x47: {  	_ =	shalt  }
0x48: {  	_ =	shalt  }
0x49: {  	_ =	shalt  }
0x4a: {  	_ =	shalt  }
0x4b: {  	_ =	shalt  }
0x4c: {  	_ =	shalt  }
0x4d: {  	_ =	shalt  }
0x4e: {  	_ =	shalt  }
0x4f: {  	_ =	shalt  }
0x50: {  	_ =	shalt  }
0x51: {  	_ =	shalt  }
0x52: {  	_ =	shalt  }
0x53: {  	_ =	shalt  }
0x54: {  	_ =	shalt  }
0x55: {  	_ =	shalt  }
0x56: {  	_ =	shalt  }
0x57: {  	_ =	shalt  }
0x58: {  	_ =	shalt  }
0x59: {  	_ =	shalt  }
0x5a: {  	_ =	shalt  }
0x5b: {  	_ =	shalt  }
0x5c: {  	_ =	shalt  }
0x5d: {  	_ =	shalt  }
0x5e: {  	_ =	shalt  }
0x5f: {  	_ =	shalt  }
0x60: {  	_ =	shalt  }
0x61: {  	_ =	shalt  }
0x62: {  	_ =	shalt  }
0x63: {  	_ =	shalt  }
0x64: {  	_ =	shalt  }
0x65: {  	_ =	shalt  }
0x66: {  	_ =	shalt  }
0x67: {  	_ =	shalt  }
0x68: {  	_ =	shalt  }
0x69: {  	_ =	shalt  }
0x6a: {  	_ =	shalt  }
0x6b: {  	_ =	shalt  }
0x6c: {  	_ =	shalt  }
0x6d: {  	_ =	shalt  }
0x6e: {  	_ =	shalt  }
0x6f: {  	_ =	shalt  }
0x70: {  	_ =	shalt  }
0x71: {  	_ =	shalt  }
0x72: {  	_ =	shalt  }
0x73: {  	_ =	shalt  }
0x74: {  	_ =	shalt  }
0x75: {  	_ =	shalt  }
0x76: {  	_ =	shalt  }
0x77: {  	_ =	shalt  }
0x78: {  	_ =	shalt  }
0x79: {  	_ =	shalt  }
0x7a: {  	_ =	shalt  }
0x7b: {  	_ =	shalt  }
0x7c: {  	_ =	shalt  }
0x7d: {  	_ =	shalt  }
0x7e: {  	_ =	shalt  }
0x7f: {  	_ =	shalt  }
0x80: {  	_ =	shalt  }
0x81: {  	_ =	shalt  }
0x82: {  	_ =	shalt  }
0x83: {  	_ =	shalt  }
0x84: {  	_ =	shalt  }
0x85: {  	_ =	shalt  }
0x86: {  	_ =	shalt  }
0x87: {  	_ =	shalt  }
.Lfunc_end0:
.L_simem_size_0:
called_computation_lowered:
.L_overlay_start_0:
0x88: {  	s2 =	sld [smem:$0x3FD9]  }
0x89: {  	s3 =	sld [smem:$0x3FFE];
	_ =	sdelay $0x1  }
0x8a: {  	s1 =	srdreg.scid  }
0x8b: {  	s0 =	sand.u32 $0x1, s1  }
0x8c: {  	s17 =	sshll.u32 s0, $0xA;
	s2 =	sadd.s32 s3, s2  }
0x8d: {  	s2 =	sadd.s32 s2, s17  }
0x8e: {  	[smem:$0x3FC6] =	sst s2  }
0x8f: {  	_ = 	snop  }
0x90: {  	s2 =	sld [smem:$0x3FC8];
	(tm) =	ssettm $0x1  }
0x91: {  	s18 =	sld [smem:$0x3FFB];
	_ =	sdelay $0x3  }
0x92: {  	_ =	strace s18  }
0x93: {  	s3 =	sld [smem:$0x3FFC];
	_ =	sdelay $0x3  }
0x94: {  	_ =	strace s3  }
0x95: {  	s3 =	sld [smem:$0x3FFD];
	_ =	sdelay $0x3  }
0x96: {  	_ =	strace s3  }
0x97: {  	_ =	strace $0x8FFFFFFF  }
0x98: {  	s19 =	sld [smem:$0x3FDB];
	_ =	sdelay $0x1  }
0x99: {  	s4 =	simm.s32 $_scs_section_size  }
0x9a: {  	s5 =	simm.s32 $_size__tile_overlayer_lowered;
	s6 =	simm.s32 $_tile_overlayer_lowered  }
0x9b: {  	s22 =	simm.s32 $0x1BFF;
	s21 =	sshll.u32 s6, $0x1;
	s3 =	sadd.s32 s4, s19  }
0x9c: {  	s7 =	simm.s32 $0x0;
	s20 =	sshll.u32 s5, $0x1;
	s5 =	sadd.s32 s21, s3  }
0x9d: {  	[timem:s7], [sflag:s22] =	dma.local [hbm:s5], s20  }
0x9e: {  	_ =	swait.ge [sflag:s22], s20  }
0x9f: {  	s4 =	ssub.s32 $0x0, s20;
	[sflag:s22] =	ssyncset.done $0x0  }
0xa0: {  	[sflag:s22] =	ssyncadd.s32 s4;
	_ =	sdelay $0x1  }
0xa1: {  	s23 =	simm.s32 $0x1B8B  }
0xa2: {  	_ =	swait.ge [sflag:s23], $0x1  }
0xa3: {  	[sflag:s23] =	ssyncset.done $0x0  }
0xa4: {  	s25 =	simm.s32 $0x1B8E;
	s24 =	sld [smem:$0x3FFE];
	[sflag:s23] =	ssyncadd.s32 $0xFFFFFFFF  }
0xa5: {  	s26 =	simm.s32 $execute0_lowered;
	[smem:$0x3FD2] =	sst s25  }
0xa6: {  	s5 =	sshll.u32 s26, $0x1;
	_ =	strace $0x80000046;
	[dreg:$0x1] =	wrdreg $0xFFFFFFFF  }
0xa7: {  	s28 =	simm.s32 $_size_execute0_lowered;
	s3 =	sadd.s32 s3, s5;
	[dreg:$0x0] =	wrdreg $0x0  }
0xa8: {  	s5 =	sshll.u32 s28, $0x1;
	[dreg:$0x2] =	wrdreg s3  }
0xa9: {  	[dreg:$0x3] =	wrdreg s5  }
0xaa: {  	[dreg:$0x4] =	wrdreg $0xC0  }
0xab: {  	_ =	task [dreg:s7], $0x5FFFF  }
0xac: {  	[dreg:$0x1] =	wrdreg $0xFFFFFFFF  }
0xad: {  	[dreg:$0x0] =	wrdreg $0x60  }
0xae: {  	[dreg:$0x2] =	wrdreg s2  }
0xaf: {  	[dreg:$0x3] =	wrdreg s24  }
0xb0: {  	[dreg:$0x4] =	wrdreg $0x9  }
0xb1: {  	_ =	task.clear_ibuf [dreg:s7], $0x5FFFF;
	_ =	strace $0x90000046  }
0xb2: {  	s29 =	simm.s32 $0x9;
	_ =	strace $0x80000048  }
0xb3: {  	_ =	swait.ge [sflag:s29], $0x1  }
0xb4: {  	[sflag:s29] =	ssyncadd.s32 $0xFFFFFFFF  }
0xb5: {  	_ =	strace $0x90000048  }
0xb6: {  	_ =	sfence  }
0xb7: {  	s30 =	sld [smem:$0x0];
	_ =	sdelay $0x2  }
0xb8: {  	s31 =	sshll.u32 s1, $0xD;
	s1 =	sshrl.u32 s1, $0x2  }
0xb9: {  	s3 =	sand.u32 $0x4000, s31;
	s1 =	sadd.s32 s1, s30  }
0xba: {  	s0 =	sor.u32 s3, s0;
	s1 =	sshll.u32 s1, $0x11  }
0xbb: {  	s0 =	sor.u32 s1, s0  }
0xbc: {  	s0 =	sadd.s32 $0x8F2B, s0  }
0xbd: {  	[sflag:s0] =	ssyncadd.remote.s32 $0x1  }
0xbe: {  	_ =	sfence.sel $0xFFFF  }
0xbf: {  	[dreg:$0x0] =	wrdreg $0xFFFFFFFF;
	(pc) =	sbr.abs _section_cstart, $3  }
0xc0: {  	[dreg:$0x1] =	wrdreg $0xFFFFFFFF  }
0xc1: {  	_ =	task.clear_ibuf [dreg:s7], $0x2FFFF;
	_ =	strace $0x9FFFFFFF  }
0xc2: {  	(tm) =	ssettm $0x7FFFFFFF  }
0xc3: {  	_ =	shalt  }
tec
execute0_lowered:
.L_overlay_start_1:
0x0: {  	(tag) =	ssettag $0x1  }
0x1: {  	s5 =	rddreg [dreg:$0x0]  }
0x2: {  	s4 =	rddreg [dreg:$0x1]  }
0x3: {  	s0 =	rddreg [dreg:$0x2]  }
0x4: {  	s2 =	simm.s32 $0x0;
	s3 =	srdreg.scid;
	s1 =	stileid.u32  }
0x5: {  	s10 =	simm.s32 $0x2;
	s11 =	simm.s32 $0x2000;
	s12 =	simm.s32 $0x7A1400  }
0x6: {  	s13 =	simm.s32 $0x1;
	s14 =	simm.s32 $0x12000;
	s15 =	simm.s32 $0x12800  }
0x7: {  	[smem:$0x7FF] =	sst s2;
	s3 =	sand.u32 $0x1, s3;
	s6 =	sshll.u32 s1, $0x1  }
0x8: {  	s16 =	simm.s32 $0x0;
	_ =	strace $0x80000047;
	s6 =	sor.u32 s3, s6  }
0x9: {  	s7 =	ssub.s32 $0x2, s3;
	s3 =	sadd.s32 $0x200, s4;
	s8 =	sshll.u32 s6, $0x8  }
0xa: {  	s9 =	sshrl.u32 s7, $0x1;
	s8 =	sadd.s32 s8, s4;
	s4 =	sshll.u32 s6, $0xA  }
0xb: {  	s9 =	ssub.s32 s7, s9;
	s5 =	sadd.s32 s5, s4;
	s6 =	sadd.s32 $0x600, s8  }
0xc: {  	v0 =	vlaneseq.u32;
	s7 =	sadd.s32 $0x2600, s8;
	s8 =	smax.u32 s9, $0x1;
	s9 =	simm.s32 $0x10000  }
.LBB2_1:
0xd: {  	v2 =	vimm.f32 $+Inf;
	v1 =	vimm.s32 $0x0  }
0xe: {  	v3 =	vimm.s32 $0x0;
	v4 =	vimm.s32 $0x0;
	v5 =	vimm.s32 $0x0  }
0xf: {  	v6 =	vimm.s32 $0x0;
	v7 =	vimm.s32 $0x0;
	v8 =	vimm.s32 $0x0  }
0x10: {  	[tilespmem:s9], [sflag:$0x2] =	stream.linear.gather [hbm4b:s3+s2], $0x2000, $0x38;
	v9 =	vimm.s32 $0x0;
	v11 =	vimm.s32 $0x0;
	v13 =	vimm.s32 $0x0;
	[tilespmem:$0x13000] =	vst v63  }
0x11: {  	v15 =	vimm.s32 $0x0;
	v17 =	vimm.s32 $0x0;
	v19 =	vimm.s32 $0x0;
	_ =	swait.ge [sflag:s10], $0x2000  }
0x12: {  	v21 =	vimm.s32 $0x0;
	v23 =	vimm.s32 $0x0;
	v25 =	vimm.s32 $0x0;
	[sflag:s10] =	ssyncset.done $0x0  }
0x13: {  	v10 =	vimm.f32 $+Inf;
	v12 =	vimm.f32 $+Inf;
	v14 =	vimm.f32 $+Inf;
	[sflag:s10] =	ssyncadd.s32 $0xFFFFE000  }
0x14: {  	v16 =	vimm.f32 $+Inf;
	v18 =	vimm.f32 $+Inf;
	v20 =	vimm.f32 $+Inf;
	[tilespmem:s2], [sflag:$0x1] =	stream.strided.gather [hbm4b:s5+s11], $0x10000, s12, s11, $0x38;
	[tilespmem:$0x13000] =	vst v63  }
0x15: {  	v22 =	vimm.f32 $+Inf;
	v24 =	vimm.f32 $+Inf;
	v26 =	vimm.f32 $+Inf;
	_ =	swait.ge [sflag:s13], $0x10000  }
0x16: {  	v27 =	vimm.f32 $+Inf;
	v28 =	vimm.f32 $+Inf;
	v29 =	vimm.f32 $+Inf;
	[sflag:s13] =	ssyncset.done $0x0  }
0x17: {  	v30 =	vimm.f32 $+Inf;
	v31 =	vimm.f32 $+Inf;
	v32 =	vimm.f32 $+Inf;
	s17 =	simm.s32 $0x0;
	[sflag:s13] =	ssyncadd.s32 $0xFFFF0000  }
.LBB2_2:
0x18: {  	s18 =	sshll.u32 s17, $0x4;
	s20 =	simm.s32 $0x10000  }
0x19: {  	s19 =	sand.u32 $0x70, s18;
	v40 =	vld [tilespmem:s20+$0x0]  }
0x1a: {  	v38 =	vmov s19  }
0x1b: {  	s31 =	sshll.u32 s17, $0x7;
	s21 =	simm.s32 $0x0  }
0x1c: {  	s22 =	sand.u32 $0xE000, s21;
	s19 =	sand.u32 $0x1C00, s31  }
0x1d: {  	s21 =	sand.u32 $0x380, s21;
	s22 =	sor.u32 s22, s19  }
0x1e: {  	s21 =	sadd.s32 s21, s22;
	v33 =	vbroadcast v40, $0x0  }
0x1f: {  	v41 =	vimm.f32 $0.0e+00;
	v54 =	vbroadcast v40, $0xF;
	v34 =	vbroadcast v40, $0x3;
	v39 =	vld.idx.msk [tilespmem:v38+s21+$0x0 ss:$0x1], $0xffff  }
0x20: {  	v53 =	vimm.f32 $0.0e+00;
	v42 =	vbroadcast v40, $0xD;
	v36 =	vbroadcast v40, $0xE  }
0x21: {  	v52 =	vimm.f32 $0.0e+00;
	v43 =	vbroadcast v40, $0xC;
	v44 =	vbroadcast v40, $0x9  }
0x22: {  	v51 =	vimm.f32 $0.0e+00;
	v45 =	vbroadcast v40, $0x4;
	v63 =	vbroadcast v40, $0x6  }
0x23: {  	v48 =	vimm.f32 $0.0e+00;
	v56 =	vbroadcast v40, $0xB;
	v58 =	vbroadcast v40, $0x7  }
0x24: {  	v49 =	vimm.f32 $0.0e+00;
	v59 =	vbroadcast v40, $0x8;
	v33 =	vmul.f32 v33, v39  }
0x25: {  	v46 =	vimm.f32 $0.0e+00;
	v34 =	vmul.f32 v34, v39;
	v62 =	vmul.f32 v39, v39  }
0x26: {  	v47 =	vimm.f32 $0.0e+00;
	v43 =	vmul.f32 v43, v39;
	v45 =	vmul.f32 v45, v39  }
0x27: {  	v50 =	vimm.f32 $0.0e+00;
	v60 =	vmul.f32 v63, v39;
	v55 =	vmul.f32 v36, v39  }
0x28: {  	v57 =	vmul.f32 v44, v39;
	v37 =	vadd.f32 v33, v41;
	v35 =	vadd.f32 v34, v41  }
0x29: {  	v44 =	vimm.f32 $0.0e+00;
	v33 =	vadd.f32 v62, v41;
	v34 =	vadd.f32 v43, v41  }
0x2a: {  	s23 =	simm.s32 $0x400;
	s21 =	simm.s32 $0x80;
	v36 =	vadd.f32 v45, v41;
	v45 =	vimm.f32 $0.0e+00;
	v43 =	vimm.f32 $0.0e+00  }
.LBB2_3:
0x2b: {  	s22 =	smov.u32 s23  }
0x2c: {  	s24 =	sand.u32 $0xE000, s23;
	v41 =	vadd.f32 v60, v41;
	v58 =	vmul.f32 v58, v39;
	v60 =	vbroadcast v40, $0xA;
	s20 =	sadd.s32 $0x80, s20;
	s22 =	sadd.s32 $0x400, s23  }
0x2d: {  	s25 =	sand.u32 $0x380, s21;
	p0 =	sne.s32 s23, $0xFC00;
	v54 =	vmul.f32 v54, v39;
	s24 =	sor.u32 s24, s19;
	v59 =	vmul.f32 v59, v39;
	v53 =	vadd.f32 v57, v53  }
0x2e: {  	v61 =	vbroadcast v40, $0x2;
	v56 =	vmul.f32 v56, v39;
	s23 =	sadd.s32 s25, s24;
	v52 =	vadd.f32 v58, v52;
	v57 =	vld [tilespmem:s20+$0x0]  }
0x2f: {  	v62 =	vbroadcast v40, $0x5;
	v42 =	vmul.f32 v42, v39;
	v51 =	vadd.f32 v59, v51;
	v58 =	vld.idx.msk [tilespmem:v38+s23+$0x0 ss:$0x1], $0xffff  }
0x30: {  	v63 =	vbroadcast v40, $0x1;
	v48 =	vadd.f32 v56, v48;
	v49 =	vadd.f32 v54, v49  }
0x31: {  	v56 =	vmul.f32 v61, v39;
	v45 =	vadd.f32 v42, v45;
	v59 =	vmul.f32 v60, v39  }
0x32: {  	v46 =	vadd.f32 v55, v46;
	v61 =	vmul.f32 v62, v39;
	v60 =	vmul.f32 v63, v39  }
0x33: {  	v44 =	vadd.f32 v59, v44;
	v55 =	vbroadcast v57, $0x0;
	v54 =	vbroadcast v57, $0xF;
	v40 =	vmovc v57  }
0x34: {  	v43 =	vadd.f32 v61, v43;
	v57 =	vbroadcast v40, $0x3;
	v42 =	vbroadcast v40, $0xD  }
0x35: {  	v47 =	vadd.f32 v56, v47;
	v59 =	vbroadcast v40, $0xE;
	v39 =	vmovc v58;
	v55 =	vmul.f32 v55, v58  }
0x36: {  	v50 =	vadd.f32 v60, v50;
	v56 =	vmul.f32 v57, v39;
	v57 =	vbroadcast v40, $0xC  }
0x37: {  	v61 =	vbroadcast v40, $0x9;
	v37 =	vadd.f32 v55, v37;
	v55 =	vmul.f32 v58, v39  }
.Ltmp0:
0x38: {  	v58 =	vbroadcast v40, $0x4;
	v35 =	vadd.f32 v56, v35;
	v56 =	vbroadcast v40, $0xB;
	(pc) =	sbr.rel @p0 .LBB2_3-.Ltmp0, $4  }
0x39: {  	v60 =	vbroadcast v40, $0x6;
	v57 =	vmul.f32 v57, v39;
	v33 =	vadd.f32 v55, v33  }
0x3a: {  	v62 =	vmul.f32 v58, v39;
	v58 =	vbroadcast v40, $0x7  }
0x3b: {  	v60 =	vmul.f32 v60, v39;
	v55 =	vmul.f32 v59, v39;
	v34 =	vadd.f32 v57, v34  }
0x3c: {  	s21 =	sadd.s32 $0x80, s21;
	s23 =	smov.u32 s22;
	v59 =	vbroadcast v40, $0x8;
	v57 =	vmul.f32 v61, v39;
	v36 =	vadd.f32 v62, v36  }
0x3d: {  	v38 =	vmul.f32 v58, v39  }
0x3e: {  	v61 =	vbroadcast v40, $0xA;
	v54 =	vmul.f32 v54, v39  }
0x3f: {  	v41 =	vadd.f32 v60, v41;
	v62 =	vbroadcast v40, $0x2;
	v56 =	vmul.f32 v56, v39  }
0x40: {  	v63 =	vbroadcast v40, $0x1;
	v37 =	vadd.f32 v33, v37;
	v35 =	vadd.f32 v33, v35  }
0x41: {  	v42 =	vmul.f32 v42, v39;
	v34 =	vadd.f32 v33, v34;
	v53 =	vadd.f32 v57, v53  }
0x42: {  	v59 =	vmul.f32 v59, v39;
	v36 =	vadd.f32 v33, v36;
	v38 =	vadd.f32 v38, v52  }
0x43: {  	v52 =	vbroadcast v40, $0x5;
	v48 =	vadd.f32 v56, v48;
	v60 =	vmul.f32 v61, v39  }
0x44: {  	v49 =	vadd.f32 v54, v49;
	v40 =	vmul.f32 v63, v39;
	v61 =	vmul.f32 v62, v39  }
0x45: {  	v42 =	vadd.f32 v42, v45;
	v62 =	vadd.f32 v55, v46;
	vm0 =	vlt.f32 v37, v32  }
0x46: {  	vm15 =	vlt.f32 v35, v29;
	v55 =	vadd.f32 v33, v41;
	vm12 =	vlt.f32 v34, v14  }
0x47: {  	v51 =	vadd.f32 v59, v51;
	v32 =	vsel vm0, v37, v32;
	v29 =	vsel vm15, v35, v29  }
0x48: {  	vm4 =	vlt.f32 v36, v28;
	v58 =	vadd.f32 v33, v53;
	v14 =	vsel vm12, v34, v14  }
0x49: {  	s18 =	sor.u32 s4, s18;
	v63 =	vmul.f32 v52, v39;
	v44 =	vadd.f32 v60, v44;
	v40 =	vadd.f32 v40, v50  }
0x4a: {  	v50 =	vadd.f32 v61, v47;
	v52 =	vor.u32 s18, v0;
	v28 =	vsel vm4, v36, v28  }
0x4b: {  	v56 =	vadd.f32 v33, v38;
	vm6 =	vlt.f32 v55, v26;
	v60 =	vadd.f32 v33, v48  }
0x4c: {  	v61 =	vadd.f32 v33, v42;
	v62 =	vadd.f32 v33, v62;
	v25 =	vsel vm0, v52, v25  }
0x4d: {  	v19 =	vsel vm15, v52, v19;
	v17 =	vsel vm4, v52, v17;
	v57 =	vadd.f32 v33, v51  }
0x4e: {  	v26 =	vsel vm6, v55, v26;
	v13 =	vsel vm6, v52, v13;
	vm9 =	vlt.f32 v58, v20  }
0x4f: {  	v5 =	vsel vm12, v52, v5;
	v39 =	vadd.f32 v63, v43;
	v40 =	vadd.f32 v33, v40  }
0x50: {  	v46 =	vadd.f32 v33, v50;
	vm7 =	vlt.f32 v56, v24;
	v59 =	vadd.f32 v33, v44  }
0x51: {  	v20 =	vsel vm9, v58, v20;
	v8 =	vsel vm9, v52, v8;
	vm11 =	vlt.f32 v60, v16  }
0x52: {  	vm13 =	vlt.f32 v61, v12;
	v63 =	vadd.f32 v33, v49;
	v24 =	vsel vm7, v56, v24  }
0x53: {  	vm8 =	vlt.f32 v57, v22;
	v11 =	vsel vm7, v52, v11;
	v16 =	vsel vm11, v60, v16  }
0x54: {  	v6 =	vsel vm11, v52, v6;
	v12 =	vsel vm13, v61, v12;
	v4 =	vsel vm13, v52, v4  }
0x55: {  	s17 =	sadd.s32 $0x1, s17;
	vm14 =	vlt.f32 v40, v31;
	vm1 =	vlt.f32 v46, v30;
	v54 =	vadd.f32 v33, v39  }
0x56: {  	p0 =	sne.s32 s17, $0x40;
	v22 =	vsel vm8, v57, v22;
	v9 =	vsel vm8, v52, v9;
	vm10 =	vlt.f32 v59, v18  }
.Ltmp1:
0x57: {  	vm15 =	vlt.f32 v63, v2;
	v31 =	vsel vm14, v40, v31;
	v23 =	vsel vm14, v52, v23;
	(pc) =	sbr.rel @p0 .LBB2_2-.Ltmp1, $4  }
0x58: {  	v30 =	vsel vm1, v46, v30;
	v21 =	vsel vm1, v52, v21;
	v18 =	vsel vm10, v59, v18  }
0x59: {  	v7 =	vsel vm10, v52, v7;
	vm14 =	vlt.f32 v62, v10;
	v2 =	vsel vm15, v63, v2  }
0x5a: {  	v1 =	vsel vm15, v52, v1;
	vm5 =	vlt.f32 v54, v27;
	v10 =	vsel vm14, v62, v10  }
0x5b: {  	v3 =	vsel vm14, v52, v3;
	v27 =	vsel vm5, v54, v27;
	v15 =	vsel vm5, v52, v15  }
0x5c: {  	[tilespmem:$0x12000] =	vst v32  }
0x5d: {  	[tilespmem:$0x12800] =	vst v25  }
0x5e: {  	[tilespmem:$0x12080] =	vst v31  }
0x5f: {  	[tilespmem:$0x12880] =	vst v23  }
0x60: {  	[tilespmem:$0x12100] =	vst v30  }
0x61: {  	[tilespmem:$0x12900] =	vst v21  }
0x62: {  	[tilespmem:$0x12180] =	vst v29  }
0x63: {  	[tilespmem:$0x12980] =	vst v19  }
0x64: {  	[tilespmem:$0x12200] =	vst v28  }
0x65: {  	[tilespmem:$0x12A00] =	vst v17  }
0x66: {  	[tilespmem:$0x12280] =	vst v27  }
0x67: {  	[tilespmem:$0x12A80] =	vst v15  }
0x68: {  	[tilespmem:$0x12300] =	vst v26  }
0x69: {  	[tilespmem:$0x12B00] =	vst v13  }
0x6a: {  	[tilespmem:$0x12380] =	vst v24  }
0x6b: {  	[tilespmem:$0x12B80] =	vst v11  }
0x6c: {  	[tilespmem:$0x12400] =	vst v22  }
0x6d: {  	[tilespmem:$0x12C00] =	vst v9  }
0x6e: {  	[tilespmem:$0x12480] =	vst v20  }
0x6f: {  	[tilespmem:$0x12C80] =	vst v8  }
0x70: {  	[tilespmem:$0x12500] =	vst v18  }
0x71: {  	[tilespmem:$0x12D00] =	vst v7  }
0x72: {  	[tilespmem:$0x12580] =	vst v16  }
0x73: {  	[tilespmem:$0x12D80] =	vst v6  }
0x74: {  	[tilespmem:$0x12600] =	vst v14  }
0x75: {  	[tilespmem:$0x12E00] =	vst v5  }
0x76: {  	[tilespmem:$0x12680] =	vst v12  }
0x77: {  	[tilespmem:$0x12E80] =	vst v4  }
0x78: {  	[tilespmem:$0x12700] =	vst v10  }
0x79: {  	[tilespmem:$0x12F00] =	vst v3  }
0x7a: {  	[tilespmem:$0x12780] =	vst v2  }
0x7b: {  	[tilespmem:$0x12F80] =	vst v1  }
0x7c: {  	[hbm4b:s6+s2] =	stream.linear.scatter [tilespmem:s14], [sflag:$0x2], $0x800, $0x38;
	[tilespmem:$0x13000] =	vst v63  }
0x7d: {  	s16 =	sadd.s32 $0x1, s16;
	_ =	swait.ge [sflag:s10], $0x800  }
0x7e: {  	p0 =	sne.s32 s16, s8;
	[sflag:s10] =	ssyncset.done $0x0  }
.Ltmp2:
0x7f: {  	[sflag:s10] =	ssyncadd.s32 $0xFFFFF800;
	(pc) =	sbr.rel @p0 .LBB2_1-.Ltmp2, $4  }
0x80: {  	[hbm4b:s7+s2] =	stream.linear.scatter [tilespmem:s15], [sflag:$0x2], $0x800, $0x38;
	[tilespmem:$0x13000] =	vst v63  }
0x81: {  	_ =	swait.ge [sflag:s10], $0x800  }
0x82: {  	[sflag:s10] =	ssyncset.done $0x0  }
0x83: {  	[sflag:s10] =	ssyncadd.s32 $0xFFFFF800  }
0x84: {  	_ =	sfence.sel $0x180000  }
0x85: {  	[bflag:$0x0] =	sbarrier.arrive $0xFFFF  }
0x86: {  	p0 =	sne.s32 s1, $0x0;
	_ =	strace $0x90000047  }
0x87: {  	s0 =	sadd.s32 @!p0 $0x100000, s0;
	[bflag:$0x2] =	sbarrier.arrive $0xFFFF  }
0x88: {  	[sflag:s0] =	ssyncadd.tile.s32 @!p0 $0x1;
	_ =	shalt  }
.Lfunc_end2:
_tile_overlayer_lowered:
.L_overlay_start_2:
0x89: {  	(tag) =	ssettag $0x2  }
0x8a: {  	s0 =	rddreg [dreg:$0x0];
	s2 =	stileid.u32  }
0x8b: {  	s1 =	rddreg [dreg:$0x1];
	p0 =	sne.s32 s2, $0x0  }
0x8c: {  	s3 =	rddreg [dreg:$0x2];
	[bflag:$0x3] =	sbarrier.arrive $0xFFFF;
	s2 =	simm.s32 @!p0 $0x1C02  }
0x8d: {  	[timem:s3], [sflag:s2] =	dma.local @!p0 [hbm:s0], s1  }
0x8e: {  	s0 =	simm.s32 @!p0 $0x2  }
0x8f: {  	_ =	swait.ge @!p0 [sflag:s0], s1  }
0x90: {  	s1 =	ssub.s32 @!p0 $0x0, s1;
	[sflag:s0] =	ssyncset.done @!p0 $0x0  }
0x91: {  	[sflag:s0] =	ssyncadd.s32 @!p0 s1  }
0x92: {  	[bflag:$0x3] =	sbarrier.arrive $0xFFFF  }
0x93: {  	_ =	shalt  }

</sc_bundles>
